<compile_context>
chip_gen: v7x
topology: tpu7x:2x2x1
jax: 0.10.2.dev20260603
libtpu: 0.0.44.dev20260713+nightly
codegen_flags: <defaults>
</compile_context>

<pallas_src>
import functools

import jax
import jax.numpy as jnp
from jax import lax
from jax.experimental import pallas as pl
from jax.experimental.pallas import tpu as pltpu
from jax.experimental.pallas import tpu_sc as plsc

V = 100000
D = 64
B = 1024
CTX = 20

NC = 2
NS = 16
NW = NC * NS
D_PER_W = D // NW
NLANE = 16
NGRP = B // NLANE

_SC_MESH = plsc.VectorSubcoreMesh(
    core_axis_name="c", subcore_axis_name="s", num_cores=NC, num_subcores=NS
)


@functools.partial(
    pl.kernel,
    out_type=jax.ShapeDtypeStruct((D, NGRP, NLANE), jnp.float32),
    mesh=_SC_MESH,
    scratch_types=[
        pltpu.VMEM((CTX, NGRP, NLANE), jnp.int32),
        pltpu.VMEM((V,), jnp.float32),
        pltpu.VMEM((D_PER_W, NGRP, NLANE), jnp.float32),
        pltpu.SemaphoreType.DMA,
        pltpu.SemaphoreType.DMA,
    ],
    compiler_params=pltpu.CompilerParams(
        needs_layout_passes=False, use_tc_tiling_on_sc=False
    ),
)
def _sc_pool(ctx_hbm, table_t_hbm, out_hbm, ctx_v, row_v, pooled_v, sem_c, sem_r):
    wid = lax.axis_index("s") * NC + lax.axis_index("c")
    cc = pltpu.async_copy(ctx_hbm, ctx_v, sem_c)
    rc = pltpu.async_copy(table_t_hbm.at[wid * D_PER_W], row_v, sem_r)
    cc.wait()
    for di in range(D_PER_W):
        d = wid * D_PER_W + di
        if di == 0:
            rc.wait()
        else:
            pltpu.sync_copy(table_t_hbm.at[d], row_v)

        def group(g, carry):
            acc = plsc.load_gather(row_v, [ctx_v[0, g, :]])
            for c in range(1, CTX):
                acc = acc + plsc.load_gather(row_v, [ctx_v[c, g, :]])
            pooled_v[di, g, :] = acc * (1.0 / CTX)
            return carry

        lax.fori_loop(0, NGRP, group, 0)
    pltpu.sync_copy(pooled_v, out_hbm.at[pl.ds(wid * D_PER_W, D_PER_W)])


VBLK = 2048
NVB = pl.cdiv(V, VBLK)


def _mm_body(wt_ref, p_ref, b_ref, o_ref):
    o_ref[...] = (
        lax.dot_general(
            wt_ref[...],
            p_ref[...].reshape(D, B),
            (((0,), (0,)), ((), ())),
            preferred_element_type=jnp.float32,
        )
        + b_ref[...].reshape(VBLK, 1)
    )


_matmul = pl.pallas_call(
    _mm_body,
    grid=(NVB,),
    in_specs=[
        pl.BlockSpec((D, VBLK), lambda v: (0, v)),
        pl.BlockSpec((D * B,), lambda v: (0,)),
        pl.BlockSpec((VBLK,), lambda v: (v,)),
    ],
    out_specs=pl.BlockSpec((VBLK, B), lambda v: (v, 0)),
    out_shape=jax.ShapeDtypeStruct((V, B), jnp.float32),
    compiler_params=pltpu.CompilerParams(
        dimension_semantics=("parallel",),
        vmem_limit_bytes=100 * 1024 * 1024,
    ),
)


def kernel(context, emb_table, W, b):
    ctx_t = context.T.astype(jnp.int32).reshape(CTX, NGRP, NLANE)
    pooled_t = _sc_pool(ctx_t, emb_table.T).reshape(D * B)
    out_t = _matmul(W.T, pooled_t, b)
    return out_t.T

# --- scband reference (transcript-rebuilt; emitter-appended) ---
"""Pipeline reference for scband-cbow-82875688943913 (READ-ONLY COPY).

The authoritative reference and input builder live on the scoring server;
editing this copy changes nothing except your own understanding.
"""

import jax, jax.numpy as jnp
import numpy as np

VOCAB = 100000
EMBED = 64
BATCH = 1024
CTX = 20

def setup_inputs(seed: int = 0) -> dict:
    key = jax.random.key(seed)
    k1, k2, k3, k4 = jax.random.split(key, 4)
    context = jax.random.randint(k1, (BATCH, CTX), 0, VOCAB, dtype=jnp.int64 if jax.config.jax_enable_x64 else jnp.int32)
    emb_table = jax.random.normal(k2, (VOCAB, EMBED), dtype=jnp.float32) * 0.02
    W = jax.random.normal(k3, (VOCAB, EMBED), dtype=jnp.float32) * 0.02  # torch Linear weight [out, in]
    b = jax.random.normal(k4, (VOCAB,), dtype=jnp.float32) * 0.02
    return {"context": context, "emb_table": emb_table, "W": W, "b": b}

def reference(context, emb_table, W, b):
    # embedding lookup: [B, L, D]
    embedded = jnp.take(emb_table, context, axis=0)
    # mean over context window -> [B, D]
    aggregated = jnp.mean(embedded, axis=1)
    # linear projection to vocab: [B, V]
    out = aggregated @ W.T + b
    return out

if __name__ == "__main__":
    import jax
    _d = setup_inputs()
    print(jax.jit(kernel)(*tuple(_d.values())))

</pallas_src>

<mosaic_0001>
#map = affine_map<(d0, d1) -> (0, 0, 0)>
#map1 = affine_map<(d0, d1) -> (0, 0)>
module attributes {stable_mosaic.version = 14 : i64} {
  func.func @_sc_pool(%arg0: i32, %arg1: i32, %arg2: memref<20x64x16xi32, #tpu.memory_space<hbm>>, %arg3: memref<64x100000xf32, #tpu.memory_space<hbm>>, %arg4: memref<64x64x16xf32, #tpu.memory_space<hbm>>, %arg5: memref<20x64x16xi32, #tpu.memory_space<vmem>>, %arg6: memref<100000xf32, #tpu.memory_space<vmem>>, %arg7: memref<2x64x16xf32, #tpu.memory_space<vmem>>, %arg8: memref<!tpu.dma_semaphore, #tpu.memory_space<semaphore_mem>>, %arg9: memref<!tpu.dma_semaphore, #tpu.memory_space<semaphore_mem>>) attributes {dimension_semantics = [#tpu.dimension_semantics<core_parallel>, #tpu.dimension_semantics<subcore_parallel>], iteration_bounds = array<i64: 2, 16>, scalar_prefetch = 0 : i64, scratch_operands = 5 : i64, tpu.core_type = #tpu.core_type<sc_vector_subcore>, window_params = [{transform_indices = #map}, {transform_indices = #map1}, {transform_indices = #map}]} {
    %mul3A = arith.constant 2 : i32
    %mul3A_0 = arith.muli %arg1, %mul3A : i32
    %add3A = arith.addi %mul3A_0, %arg0 : i32
    tpu.enqueue_dma source(%arg2 : memref<20x64x16xi32, #tpu.memory_space<hbm>>) target(%arg5 : memref<20x64x16xi32, #tpu.memory_space<vmem>>) target_semaphore(%arg8 : memref<!tpu.dma_semaphore, #tpu.memory_space<semaphore_mem>>)
    %mul3A_1 = arith.constant 2 : i32
    %mul3A_2 = arith.muli %add3A, %mul3A_1 : i32
    %dma_start3A = arith.constant 0 : i32
    %dma_start3A_3 = tpu.memref_slice %arg3[%mul3A_2, %dma_start3A] : memref<64x100000xf32, #tpu.memory_space<hbm>> -> memref<1x100000xf32, #tpu.memory_space<hbm>>
    %dma_start3A_4 = tpu.memref_squeeze %dma_start3A_3 : memref<1x100000xf32, #tpu.memory_space<hbm>> -> memref<100000xf32, #tpu.memory_space<hbm>>
    %dma_start3A_5 = arith.constant 0 : i32
    %dma_start3A_6 = tpu.memref_slice %arg3[%mul3A_2, %dma_start3A_5] : memref<64x100000xf32, #tpu.memory_space<hbm>> -> memref<1x100000xf32, #tpu.memory_space<hbm>>
    %dma_start3A_7 = tpu.memref_squeeze %dma_start3A_6 : memref<1x100000xf32, #tpu.memory_space<hbm>> -> memref<100000xf32, #tpu.memory_space<hbm>>
    tpu.enqueue_dma source(%dma_start3A_7 : memref<100000xf32, #tpu.memory_space<hbm>>) target(%arg6 : memref<100000xf32, #tpu.memory_space<vmem>>) target_semaphore(%arg9 : memref<!tpu.dma_semaphore, #tpu.memory_space<semaphore_mem>>)
    tpu.wait_dma2 semaphore(%arg8 : memref<!tpu.dma_semaphore, #tpu.memory_space<semaphore_mem>>) src(%arg2 : memref<20x64x16xi32, #tpu.memory_space<hbm>>) dst(%arg5 : memref<20x64x16xi32, #tpu.memory_space<vmem>>)
    %mul3A_8 = arith.constant 2 : i32
    %mul3A_9 = arith.muli %add3A, %mul3A_8 : i32
    %add3A_10 = arith.constant 0 : i32
    %add3A_11 = arith.addi %mul3A_9, %add3A_10 : i32
    %dma_wait3A = arith.constant 0 : i32
    %dma_wait3A_12 = tpu.memref_slice %arg3[%mul3A_2, %dma_wait3A] : memref<64x100000xf32, #tpu.memory_space<hbm>> -> memref<1x100000xf32, #tpu.memory_space<hbm>>
    %dma_wait3A_13 = tpu.memref_squeeze %dma_wait3A_12 : memref<1x100000xf32, #tpu.memory_space<hbm>> -> memref<100000xf32, #tpu.memory_space<hbm>>
    %dma_wait3A_14 = arith.constant 0 : i32
    %dma_wait3A_15 = tpu.memref_slice %arg3[%mul3A_2, %dma_wait3A_14] : memref<64x100000xf32, #tpu.memory_space<hbm>> -> memref<1x100000xf32, #tpu.memory_space<hbm>>
    %dma_wait3A_16 = tpu.memref_squeeze %dma_wait3A_15 : memref<1x100000xf32, #tpu.memory_space<hbm>> -> memref<100000xf32, #tpu.memory_space<hbm>>
    tpu.wait_dma2 semaphore(%arg9 : memref<!tpu.dma_semaphore, #tpu.memory_space<semaphore_mem>>) src(%dma_wait3A_16 : memref<100000xf32, #tpu.memory_space<hbm>>) dst(%arg6 : memref<100000xf32, #tpu.memory_space<vmem>>)
    %scan3A = arith.constant 0 : i32
    %scan3A_17 = arith.constant 0 : i32
    %scan3A_18 = arith.constant 64 : i32
    %scan3A_19 = arith.addi %scan3A_17, %scan3A_18 : i32
    %scan3A_20 = arith.constant 1 : i32
    scf.for %scan3A_34 = %scan3A_17 to %scan3A_19 step %scan3A_20  : i32 {
      %get3A = arith.constant 0 : i32
      %get3A_35 = arith.index_cast %get3A : i32 to index
      %get3A_36 = arith.index_cast %scan3A_34 : i32 to index
      %get3A_37 = arith.constant 0 : index
      %get3A_38 = tpu.vector_load %arg5[%get3A_35, %get3A_36, %get3A_37] {strides = array<i32>} : memref<20x64x16xi32, #tpu.memory_space<vmem>>, vector<16xi32>,
      %gather3A = tpu.vector_load_idx %arg6[%get3A_38] : memref<100000xf32, #tpu.memory_space<vmem>>[vector<16xi32>], vector<16xf32>,
      %get3A_39 = arith.constant 1 : i32
      %get3A_40 = arith.index_cast %get3A_39 : i32 to index
      %get3A_41 = arith.index_cast %scan3A_34 : i32 to index
      %get3A_42 = arith.constant 0 : index
      %get3A_43 = tpu.vector_load %arg5[%get3A_40, %get3A_41, %get3A_42] {strides = array<i32>} : memref<20x64x16xi32, #tpu.memory_space<vmem>>, vector<16xi32>,
      %gather3A_44 = tpu.vector_load_idx %arg6[%get3A_43] : memref<100000xf32, #tpu.memory_space<vmem>>[vector<16xi32>], vector<16xf32>,
      %add3A_45 = arith.addf %gather3A, %gather3A_44 : vector<16xf32>
      %get3A_46 = arith.constant 2 : i32
      %get3A_47 = arith.index_cast %get3A_46 : i32 to index
      %get3A_48 = arith.index_cast %scan3A_34 : i32 to index
      %get3A_49 = arith.constant 0 : index
      %get3A_50 = tpu.vector_load %arg5[%get3A_47, %get3A_48, %get3A_49] {strides = array<i32>} : memref<20x64x16xi32, #tpu.memory_space<vmem>>, vector<16xi32>,
      %gather3A_51 = tpu.vector_load_idx %arg6[%get3A_50] : memref<100000xf32, #tpu.memory_space<vmem>>[vector<16xi32>], vector<16xf32>,
      %add3A_52 = arith.addf %add3A_45, %gather3A_51 : vector<16xf32>
      %get3A_53 = arith.constant 3 : i32
      %get3A_54 = arith.index_cast %get3A_53 : i32 to index
      %get3A_55 = arith.index_cast %scan3A_34 : i32 to index
      %get3A_56 = arith.constant 0 : index
      %get3A_57 = tpu.vector_load %arg5[%get3A_54, %get3A_55, %get3A_56] {strides = array<i32>} : memref<20x64x16xi32, #tpu.memory_space<vmem>>, vector<16xi32>,
      %gather3A_58 = tpu.vector_load_idx %arg6[%get3A_57] : memref<100000xf32, #tpu.memory_space<vmem>>[vector<16xi32>], vector<16xf32>,
      %add3A_59 = arith.addf %add3A_52, %gather3A_58 : vector<16xf32>
      %get3A_60 = arith.constant 4 : i32
      %get3A_61 = arith.index_cast %get3A_60 : i32 to index
      %get3A_62 = arith.index_cast %scan3A_34 : i32 to index
      %get3A_63 = arith.constant 0 : index
      %get3A_64 = tpu.vector_load %arg5[%get3A_61, %get3A_62, %get3A_63] {strides = array<i32>} : memref<20x64x16xi32, #tpu.memory_space<vmem>>, vector<16xi32>,
      %gather3A_65 = tpu.vector_load_idx %arg6[%get3A_64] : memref<100000xf32, #tpu.memory_space<vmem>>[vector<16xi32>], vector<16xf32>,
      %add3A_66 = arith.addf %add3A_59, %gather3A_65 : vector<16xf32>
      %get3A_67 = arith.constant 5 : i32
      %get3A_68 = arith.index_cast %get3A_67 : i32 to index
      %get3A_69 = arith.index_cast %scan3A_34 : i32 to index
      %get3A_70 = arith.constant 0 : index
      %get3A_71 = tpu.vector_load %arg5[%get3A_68, %get3A_69, %get3A_70] {strides = array<i32>} : memref<20x64x16xi32, #tpu.memory_space<vmem>>, vector<16xi32>,
      %gather3A_72 = tpu.vector_load_idx %arg6[%get3A_71] : memref<100000xf32, #tpu.memory_space<vmem>>[vector<16xi32>], vector<16xf32>,
      %add3A_73 = arith.addf %add3A_66, %gather3A_72 : vector<16xf32>
      %get3A_74 = arith.constant 6 : i32
      %get3A_75 = arith.index_cast %get3A_74 : i32 to index
      %get3A_76 = arith.index_cast %scan3A_34 : i32 to index
      %get3A_77 = arith.constant 0 : index
      %get3A_78 = tpu.vector_load %arg5[%get3A_75, %get3A_76, %get3A_77] {strides = array<i32>} : memref<20x64x16xi32, #tpu.memory_space<vmem>>, vector<16xi32>,
      %gather3A_79 = tpu.vector_load_idx %arg6[%get3A_78] : memref<100000xf32, #tpu.memory_space<vmem>>[vector<16xi32>], vector<16xf32>,
      %add3A_80 = arith.addf %add3A_73, %gather3A_79 : vector<16xf32>
      %get3A_81 = arith.constant 7 : i32
      %get3A_82 = arith.index_cast %get3A_81 : i32 to index
      %get3A_83 = arith.index_cast %scan3A_34 : i32 to index
      %get3A_84 = arith.constant 0 : index
      %get3A_85 = tpu.vector_load %arg5[%get3A_82, %get3A_83, %get3A_84] {strides = array<i32>} : memref<20x64x16xi32, #tpu.memory_space<vmem>>, vector<16xi32>,
      %gather3A_86 = tpu.vector_load_idx %arg6[%get3A_85] : memref<100000xf32, #tpu.memory_space<vmem>>[vector<16xi32>], vector<16xf32>,
      %add3A_87 = arith.addf %add3A_80, %gather3A_86 : vector<16xf32>
      %get3A_88 = arith.constant 8 : i32
      %get3A_89 = arith.index_cast %get3A_88 : i32 to index
      %get3A_90 = arith.index_cast %scan3A_34 : i32 to index
      %get3A_91 = arith.constant 0 : index
      %get3A_92 = tpu.vector_load %arg5[%get3A_89, %get3A_90, %get3A_91] {strides = array<i32>} : memref<20x64x16xi32, #tpu.memory_space<vmem>>, vector<16xi32>,
      %gather3A_93 = tpu.vector_load_idx %arg6[%get3A_92] : memref<100000xf32, #tpu.memory_space<vmem>>[vector<16xi32>], vector<16xf32>,
      %add3A_94 = arith.addf %add3A_87, %gather3A_93 : vector<16xf32>
      %get3A_95 = arith.constant 9 : i32
      %get3A_96 = arith.index_cast %get3A_95 : i32 to index
      %get3A_97 = arith.index_cast %scan3A_34 : i32 to index
      %get3A_98 = arith.constant 0 : index
      %get3A_99 = tpu.vector_load %arg5[%get3A_96, %get3A_97, %get3A_98] {strides = array<i32>} : memref<20x64x16xi32, #tpu.memory_space<vmem>>, vector<16xi32>,
      %gather3A_100 = tpu.vector_load_idx %arg6[%get3A_99] : memref<100000xf32, #tpu.memory_space<vmem>>[vector<16xi32>], vector<16xf32>,
      %add3A_101 = arith.addf %add3A_94, %gather3A_100 : vector<16xf32>
      %get3A_102 = arith.constant 10 : i32
      %get3A_103 = arith.index_cast %get3A_102 : i32 to index
      %get3A_104 = arith.index_cast %scan3A_34 : i32 to index
      %get3A_105 = arith.constant 0 : index
      %get3A_106 = tpu.vector_load %arg5[%get3A_103, %get3A_104, %get3A_105] {strides = array<i32>} : memref<20x64x16xi32, #tpu.memory_space<vmem>>, vector<16xi32>,
      %gather3A_107 = tpu.vector_load_idx %arg6[%get3A_106] : memref<100000xf32, #tpu.memory_space<vmem>>[vector<16xi32>], vector<16xf32>,
      %add3A_108 = arith.addf %add3A_101, %gather3A_107 : vector<16xf32>
      %get3A_109 = arith.constant 11 : i32
      %get3A_110 = arith.index_cast %get3A_109 : i32 to index
      %get3A_111 = arith.index_cast %scan3A_34 : i32 to index
      %get3A_112 = arith.constant 0 : index
      %get3A_113 = tpu.vector_load %arg5[%get3A_110, %get3A_111, %get3A_112] {strides = array<i32>} : memref<20x64x16xi32, #tpu.memory_space<vmem>>, vector<16xi32>,
      %gather3A_114 = tpu.vector_load_idx %arg6[%get3A_113] : memref<100000xf32, #tpu.memory_space<vmem>>[vector<16xi32>], vector<16xf32>,
      %add3A_115 = arith.addf %add3A_108, %gather3A_114 : vector<16xf32>
      %get3A_116 = arith.constant 12 : i32
      %get3A_117 = arith.index_cast %get3A_116 : i32 to index
      %get3A_118 = arith.index_cast %scan3A_34 : i32 to index
      %get3A_119 = arith.constant 0 : index
      %get3A_120 = tpu.vector_load %arg5[%get3A_117, %get3A_118, %get3A_119] {strides = array<i32>} : memref<20x64x16xi32, #tpu.memory_space<vmem>>, vector<16xi32>,
      %gather3A_121 = tpu.vector_load_idx %arg6[%get3A_120] : memref<100000xf32, #tpu.memory_space<vmem>>[vector<16xi32>], vector<16xf32>,
      %add3A_122 = arith.addf %add3A_115, %gather3A_121 : vector<16xf32>
      %get3A_123 = arith.constant 13 : i32
      %get3A_124 = arith.index_cast %get3A_123 : i32 to index
      %get3A_125 = arith.index_cast %scan3A_34 : i32 to index
      %get3A_126 = arith.constant 0 : index
      %get3A_127 = tpu.vector_load %arg5[%get3A_124, %get3A_125, %get3A_126] {strides = array<i32>} : memref<20x64x16xi32, #tpu.memory_space<vmem>>, vector<16xi32>,
      %gather3A_128 = tpu.vector_load_idx %arg6[%get3A_127] : memref<100000xf32, #tpu.memory_space<vmem>>[vector<16xi32>], vector<16xf32>,
      %add3A_129 = arith.addf %add3A_122, %gather3A_128 : vector<16xf32>
      %get3A_130 = arith.constant 14 : i32
      %get3A_131 = arith.index_cast %get3A_130 : i32 to index
      %get3A_132 = arith.index_cast %scan3A_34 : i32 to index
      %get3A_133 = arith.constant 0 : index
      %get3A_134 = tpu.vector_load %arg5[%get3A_131, %get3A_132, %get3A_133] {strides = array<i32>} : memref<20x64x16xi32, #tpu.memory_space<vmem>>, vector<16xi32>,
      %gather3A_135 = tpu.vector_load_idx %arg6[%get3A_134] : memref<100000xf32, #tpu.memory_space<vmem>>[vector<16xi32>], vector<16xf32>,
      %add3A_136 = arith.addf %add3A_129, %gather3A_135 : vector<16xf32>
      %get3A_137 = arith.constant 15 : i32
      %get3A_138 = arith.index_cast %get3A_137 : i32 to index
      %get3A_139 = arith.index_cast %scan3A_34 : i32 to index
      %get3A_140 = arith.constant 0 : index
      %get3A_141 = tpu.vector_load %arg5[%get3A_138, %get3A_139, %get3A_140] {strides = array<i32>} : memref<20x64x16xi32, #tpu.memory_space<vmem>>, vector<16xi32>,
      %gather3A_142 = tpu.vector_load_idx %arg6[%get3A_141] : memref<100000xf32, #tpu.memory_space<vmem>>[vector<16xi32>], vector<16xf32>,
      %add3A_143 = arith.addf %add3A_136, %gather3A_142 : vector<16xf32>
      %get3A_144 = arith.constant 16 : i32
      %get3A_145 = arith.index_cast %get3A_144 : i32 to index
      %get3A_146 = arith.index_cast %scan3A_34 : i32 to index
      %get3A_147 = arith.constant 0 : index
      %get3A_148 = tpu.vector_load %arg5[%get3A_145, %get3A_146, %get3A_147] {strides = array<i32>} : memref<20x64x16xi32, #tpu.memory_space<vmem>>, vector<16xi32>,
      %gather3A_149 = tpu.vector_load_idx %arg6[%get3A_148] : memref<100000xf32, #tpu.memory_space<vmem>>[vector<16xi32>], vector<16xf32>,
      %add3A_150 = arith.addf %add3A_143, %gather3A_149 : vector<16xf32>
      %get3A_151 = arith.constant 17 : i32
      %get3A_152 = arith.index_cast %get3A_151 : i32 to index
      %get3A_153 = arith.index_cast %scan3A_34 : i32 to index
      %get3A_154 = arith.constant 0 : index
      %get3A_155 = tpu.vector_load %arg5[%get3A_152, %get3A_153, %get3A_154] {strides = array<i32>} : memref<20x64x16xi32, #tpu.memory_space<vmem>>, vector<16xi32>,
      %gather3A_156 = tpu.vector_load_idx %arg6[%get3A_155] : memref<100000xf32, #tpu.memory_space<vmem>>[vector<16xi32>], vector<16xf32>,
      %add3A_157 = arith.addf %add3A_150, %gather3A_156 : vector<16xf32>
      %get3A_158 = arith.constant 18 : i32
      %get3A_159 = arith.index_cast %get3A_158 : i32 to index
      %get3A_160 = arith.index_cast %scan3A_34 : i32 to index
      %get3A_161 = arith.constant 0 : index
      %get3A_162 = tpu.vector_load %arg5[%get3A_159, %get3A_160, %get3A_161] {strides = array<i32>} : memref<20x64x16xi32, #tpu.memory_space<vmem>>, vector<16xi32>,
      %gather3A_163 = tpu.vector_load_idx %arg6[%get3A_162] : memref<100000xf32, #tpu.memory_space<vmem>>[vector<16xi32>], vector<16xf32>,
      %add3A_164 = arith.addf %add3A_157, %gather3A_163 : vector<16xf32>
      %get3A_165 = arith.constant 19 : i32
      %get3A_166 = arith.index_cast %get3A_165 : i32 to index
      %get3A_167 = arith.index_cast %scan3A_34 : i32 to index
      %get3A_168 = arith.constant 0 : index
      %get3A_169 = tpu.vector_load %arg5[%get3A_166, %get3A_167, %get3A_168] {strides = array<i32>} : memref<20x64x16xi32, #tpu.memory_space<vmem>>, vector<16xi32>,
      %gather3A_170 = tpu.vector_load_idx %arg6[%get3A_169] : memref<100000xf32, #tpu.memory_space<vmem>>[vector<16xi32>], vector<16xf32>,
      %add3A_171 = arith.addf %add3A_164, %gather3A_170 : vector<16xf32>
      %mul3A_172 = arith.constant 5.000000e-02 : f32
      %mul3A_173 = vector.broadcast %mul3A_172 : f32 to vector<16xf32>
      %mul3A_174 = arith.mulf %add3A_171, %mul3A_173 : vector<16xf32>
      %swap3A = arith.constant 0 : i32
      %swap3A_175 = arith.index_cast %swap3A : i32 to index
      %swap3A_176 = arith.index_cast %scan3A_34 : i32 to index
      %swap3A_177 = arith.constant 0 : index
      %swap3A_178 = tpu.vector_load %arg7[%swap3A_175, %swap3A_176, %swap3A_177] {strides = array<i32>} : memref<2x64x16xf32, #tpu.memory_space<vmem>>, vector<16xf32>,
      tpu.vector_store %arg7[%swap3A_175, %swap3A_176, %swap3A_177], %mul3A_174 {strides = array<i32>} : memref<2x64x16xf32, #tpu.memory_space<vmem>>, vector<16xf32>,
    }
    %scan3A_21 = arith.constant 64 : i32
    %mul3A_22 = arith.constant 2 : i32
    %mul3A_23 = arith.muli %add3A, %mul3A_22 : i32
    %add3A_24 = arith.constant 1 : i32
    %add3A_25 = arith.addi %mul3A_23, %add3A_24 : i32
    "tpu.region"() ({
      %run_scoped3A = tpu.sem_alloc : memref<!tpu.dma_semaphore, #tpu.memory_space<semaphore_mem>>
      %dma_start3A_34 = arith.constant 0 : i32
      %dma_start3A_35 = tpu.memref_slice %arg3[%add3A_25, %dma_start3A_34] : memref<64x100000xf32, #tpu.memory_space<hbm>> -> memref<1x100000xf32, #tpu.memory_space<hbm>>
      %dma_start3A_36 = tpu.memref_squeeze %dma_start3A_35 : memref<1x100000xf32, #tpu.memory_space<hbm>> -> memref<100000xf32, #tpu.memory_space<hbm>>
      %dma_start3A_37 = arith.constant 0 : i32
      %dma_start3A_38 = tpu.memref_slice %arg3[%add3A_25, %dma_start3A_37] : memref<64x100000xf32, #tpu.memory_space<hbm>> -> memref<1x100000xf32, #tpu.memory_space<hbm>>
      %dma_start3A_39 = tpu.memref_squeeze %dma_start3A_38 : memref<1x100000xf32, #tpu.memory_space<hbm>> -> memref<100000xf32, #tpu.memory_space<hbm>>
      tpu.enqueue_dma source(%dma_start3A_39 : memref<100000xf32, #tpu.memory_space<hbm>>) target(%arg6 : memref<100000xf32, #tpu.memory_space<vmem>>) target_semaphore(%run_scoped3A : memref<!tpu.dma_semaphore, #tpu.memory_space<semaphore_mem>>)
      %dma_wait3A_40 = arith.constant 0 : i32
      %dma_wait3A_41 = tpu.memref_slice %arg3[%add3A_25, %dma_wait3A_40] : memref<64x100000xf32, #tpu.memory_space<hbm>> -> memref<1x100000xf32, #tpu.memory_space<hbm>>
      %dma_wait3A_42 = tpu.memref_squeeze %dma_wait3A_41 : memref<1x100000xf32, #tpu.memory_space<hbm>> -> memref<100000xf32, #tpu.memory_space<hbm>>
      %dma_wait3A_43 = arith.constant 0 : i32
      %dma_wait3A_44 = tpu.memref_slice %arg3[%add3A_25, %dma_wait3A_43] : memref<64x100000xf32, #tpu.memory_space<hbm>> -> memref<1x100000xf32, #tpu.memory_space<hbm>>
      %dma_wait3A_45 = tpu.memref_squeeze %dma_wait3A_44 : memref<1x100000xf32, #tpu.memory_space<hbm>> -> memref<100000xf32, #tpu.memory_space<hbm>>
      tpu.wait_dma2 semaphore(%run_scoped3A : memref<!tpu.dma_semaphore, #tpu.memory_space<semaphore_mem>>) src(%dma_wait3A_45 : memref<100000xf32, #tpu.memory_space<hbm>>) dst(%arg6 : memref<100000xf32, #tpu.memory_space<vmem>>)
      tpu.yield
    }) : () -> ()
    %scan3A_26 = arith.constant 0 : i32
    %scan3A_27 = arith.constant 0 : i32
    %scan3A_28 = arith.constant 64 : i32
    %scan3A_29 = arith.addi %scan3A_27, %scan3A_28 : i32
    %scan3A_30 = arith.constant 1 : i32
    scf.for %scan3A_34 = %scan3A_27 to %scan3A_29 step %scan3A_30  : i32 {
      %get3A = arith.constant 0 : i32
      %get3A_35 = arith.index_cast %get3A : i32 to index
      %get3A_36 = arith.index_cast %scan3A_34 : i32 to index
      %get3A_37 = arith.constant 0 : index
      %get3A_38 = tpu.vector_load %arg5[%get3A_35, %get3A_36, %get3A_37] {strides = array<i32>} : memref<20x64x16xi32, #tpu.memory_space<vmem>>, vector<16xi32>,
      %gather3A = tpu.vector_load_idx %arg6[%get3A_38] : memref<100000xf32, #tpu.memory_space<vmem>>[vector<16xi32>], vector<16xf32>,
      %get3A_39 = arith.constant 1 : i32
      %get3A_40 = arith.index_cast %get3A_39 : i32 to index
      %get3A_41 = arith.index_cast %scan3A_34 : i32 to index
      %get3A_42 = arith.constant 0 : index
      %get3A_43 = tpu.vector_load %arg5[%get3A_40, %get3A_41, %get3A_42] {strides = array<i32>} : memref<20x64x16xi32, #tpu.memory_space<vmem>>, vector<16xi32>,
      %gather3A_44 = tpu.vector_load_idx %arg6[%get3A_43] : memref<100000xf32, #tpu.memory_space<vmem>>[vector<16xi32>], vector<16xf32>,
      %add3A_45 = arith.addf %gather3A, %gather3A_44 : vector<16xf32>
      %get3A_46 = arith.constant 2 : i32
      %get3A_47 = arith.index_cast %get3A_46 : i32 to index
      %get3A_48 = arith.index_cast %scan3A_34 : i32 to index
      %get3A_49 = arith.constant 0 : index
      %get3A_50 = tpu.vector_load %arg5[%get3A_47, %get3A_48, %get3A_49] {strides = array<i32>} : memref<20x64x16xi32, #tpu.memory_space<vmem>>, vector<16xi32>,
      %gather3A_51 = tpu.vector_load_idx %arg6[%get3A_50] : memref<100000xf32, #tpu.memory_space<vmem>>[vector<16xi32>], vector<16xf32>,
      %add3A_52 = arith.addf %add3A_45, %gather3A_51 : vector<16xf32>
      %get3A_53 = arith.constant 3 : i32
      %get3A_54 = arith.index_cast %get3A_53 : i32 to index
      %get3A_55 = arith.index_cast %scan3A_34 : i32 to index
      %get3A_56 = arith.constant 0 : index
      %get3A_57 = tpu.vector_load %arg5[%get3A_54, %get3A_55, %get3A_56] {strides = array<i32>} : memref<20x64x16xi32, #tpu.memory_space<vmem>>, vector<16xi32>,
      %gather3A_58 = tpu.vector_load_idx %arg6[%get3A_57] : memref<100000xf32, #tpu.memory_space<vmem>>[vector<16xi32>], vector<16xf32>,
      %add3A_59 = arith.addf %add3A_52, %gather3A_58 : vector<16xf32>
      %get3A_60 = arith.constant 4 : i32
      %get3A_61 = arith.index_cast %get3A_60 : i32 to index
      %get3A_62 = arith.index_cast %scan3A_34 : i32 to index
      %get3A_63 = arith.constant 0 : index
      %get3A_64 = tpu.vector_load %arg5[%get3A_61, %get3A_62, %get3A_63] {strides = array<i32>} : memref<20x64x16xi32, #tpu.memory_space<vmem>>, vector<16xi32>,
      %gather3A_65 = tpu.vector_load_idx %arg6[%get3A_64] : memref<100000xf32, #tpu.memory_space<vmem>>[vector<16xi32>], vector<16xf32>,
      %add3A_66 = arith.addf %add3A_59, %gather3A_65 : vector<16xf32>
      %get3A_67 = arith.constant 5 : i32
      %get3A_68 = arith.index_cast %get3A_67 : i32 to index
      %get3A_69 = arith.index_cast %scan3A_34 : i32 to index
      %get3A_70 = arith.constant 0 : index
      %get3A_71 = tpu.vector_load %arg5[%get3A_68, %get3A_69, %get3A_70] {strides = array<i32>} : memref<20x64x16xi32, #tpu.memory_space<vmem>>, vector<16xi32>,
      %gather3A_72 = tpu.vector_load_idx %arg6[%get3A_71] : memref<100000xf32, #tpu.memory_space<vmem>>[vector<16xi32>], vector<16xf32>,
      %add3A_73 = arith.addf %add3A_66, %gather3A_72 : vector<16xf32>
      %get3A_74 = arith.constant 6 : i32
      %get3A_75 = arith.index_cast %get3A_74 : i32 to index
      %get3A_76 = arith.index_cast %scan3A_34 : i32 to index
      %get3A_77 = arith.constant 0 : index
      %get3A_78 = tpu.vector_load %arg5[%get3A_75, %get3A_76, %get3A_77] {strides = array<i32>} : memref<20x64x16xi32, #tpu.memory_space<vmem>>, vector<16xi32>,
      %gather3A_79 = tpu.vector_load_idx %arg6[%get3A_78] : memref<100000xf32, #tpu.memory_space<vmem>>[vector<16xi32>], vector<16xf32>,
      %add3A_80 = arith.addf %add3A_73, %gather3A_79 : vector<16xf32>
      %get3A_81 = arith.constant 7 : i32
      %get3A_82 = arith.index_cast %get3A_81 : i32 to index
      %get3A_83 = arith.index_cast %scan3A_34 : i32 to index
      %get3A_84 = arith.constant 0 : index
      %get3A_85 = tpu.vector_load %arg5[%get3A_82, %get3A_83, %get3A_84] {strides = array<i32>} : memref<20x64x16xi32, #tpu.memory_space<vmem>>, vector<16xi32>,
      %gather3A_86 = tpu.vector_load_idx %arg6[%get3A_85] : memref<100000xf32, #tpu.memory_space<vmem>>[vector<16xi32>], vector<16xf32>,
      %add3A_87 = arith.addf %add3A_80, %gather3A_86 : vector<16xf32>
      %get3A_88 = arith.constant 8 : i32
      %get3A_89 = arith.index_cast %get3A_88 : i32 to index
      %get3A_90 = arith.index_cast %scan3A_34 : i32 to index
      %get3A_91 = arith.constant 0 : index
      %get3A_92 = tpu.vector_load %arg5[%get3A_89, %get3A_90, %get3A_91] {strides = array<i32>} : memref<20x64x16xi32, #tpu.memory_space<vmem>>, vector<16xi32>,
      %gather3A_93 = tpu.vector_load_idx %arg6[%get3A_92] : memref<100000xf32, #tpu.memory_space<vmem>>[vector<16xi32>], vector<16xf32>,
      %add3A_94 = arith.addf %add3A_87, %gather3A_93 : vector<16xf32>
      %get3A_95 = arith.constant 9 : i32
      %get3A_96 = arith.index_cast %get3A_95 : i32 to index
      %get3A_97 = arith.index_cast %scan3A_34 : i32 to index
      %get3A_98 = arith.constant 0 : index
      %get3A_99 = tpu.vector_load %arg5[%get3A_96, %get3A_97, %get3A_98] {strides = array<i32>} : memref<20x64x16xi32, #tpu.memory_space<vmem>>, vector<16xi32>,
      %gather3A_100 = tpu.vector_load_idx %arg6[%get3A_99] : memref<100000xf32, #tpu.memory_space<vmem>>[vector<16xi32>], vector<16xf32>,
      %add3A_101 = arith.addf %add3A_94, %gather3A_100 : vector<16xf32>
      %get3A_102 = arith.constant 10 : i32
      %get3A_103 = arith.index_cast %get3A_102 : i32 to index
      %get3A_104 = arith.index_cast %scan3A_34 : i32 to index
      %get3A_105 = arith.constant 0 : index
      %get3A_106 = tpu.vector_load %arg5[%get3A_103, %get3A_104, %get3A_105] {strides = array<i32>} : memref<20x64x16xi32, #tpu.memory_space<vmem>>, vector<16xi32>,
      %gather3A_107 = tpu.vector_load_idx %arg6[%get3A_106] : memref<100000xf32, #tpu.memory_space<vmem>>[vector<16xi32>], vector<16xf32>,
      %add3A_108 = arith.addf %add3A_101, %gather3A_107 : vector<16xf32>
      %get3A_109 = arith.constant 11 : i32
      %get3A_110 = arith.index_cast %get3A_109 : i32 to index
      %get3A_111 = arith.index_cast %scan3A_34 : i32 to index
      %get3A_112 = arith.constant 0 : index
      %get3A_113 = tpu.vector_load %arg5[%get3A_110, %get3A_111, %get3A_112] {strides = array<i32>} : memref<20x64x16xi32, #tpu.memory_space<vmem>>, vector<16xi32>,
      %gather3A_114 = tpu.vector_load_idx %arg6[%get3A_113] : memref<100000xf32, #tpu.memory_space<vmem>>[vector<16xi32>], vector<16xf32>,
      %add3A_115 = arith.addf %add3A_108, %gather3A_114 : vector<16xf32>
      %get3A_116 = arith.constant 12 : i32
      %get3A_117 = arith.index_cast %get3A_116 : i32 to index
      %get3A_118 = arith.index_cast %scan3A_34 : i32 to index
      %get3A_119 = arith.constant 0 : index
      %get3A_120 = tpu.vector_load %arg5[%get3A_117, %get3A_118, %get3A_119] {strides = array<i32>} : memref<20x64x16xi32, #tpu.memory_space<vmem>>, vector<16xi32>,
      %gather3A_121 = tpu.vector_load_idx %arg6[%get3A_120] : memref<100000xf32, #tpu.memory_space<vmem>>[vector<16xi32>], vector<16xf32>,
      %add3A_122 = arith.addf %add3A_115, %gather3A_121 : vector<16xf32>
      %get3A_123 = arith.constant 13 : i32
      %get3A_124 = arith.index_cast %get3A_123 : i32 to index
      %get3A_125 = arith.index_cast %scan3A_34 : i32 to index
      %get3A_126 = arith.constant 0 : index
      %get3A_127 = tpu.vector_load %arg5[%get3A_124, %get3A_125, %get3A_126] {strides = array<i32>} : memref<20x64x16xi32, #tpu.memory_space<vmem>>, vector<16xi32>,
      %gather3A_128 = tpu.vector_load_idx %arg6[%get3A_127] : memref<100000xf32, #tpu.memory_space<vmem>>[vector<16xi32>], vector<16xf32>,
      %add3A_129 = arith.addf %add3A_122, %gather3A_128 : vector<16xf32>
      %get3A_130 = arith.constant 14 : i32
      %get3A_131 = arith.index_cast %get3A_130 : i32 to index
      %get3A_132 = arith.index_cast %scan3A_34 : i32 to index
      %get3A_133 = arith.constant 0 : index
      %get3A_134 = tpu.vector_load %arg5[%get3A_131, %get3A_132, %get3A_133] {strides = array<i32>} : memref<20x64x16xi32, #tpu.memory_space<vmem>>, vector<16xi32>,
      %gather3A_135 = tpu.vector_load_idx %arg6[%get3A_134] : memref<100000xf32, #tpu.memory_space<vmem>>[vector<16xi32>], vector<16xf32>,
      %add3A_136 = arith.addf %add3A_129, %gather3A_135 : vector<16xf32>
      %get3A_137 = arith.constant 15 : i32
      %get3A_138 = arith.index_cast %get3A_137 : i32 to index
      %get3A_139 = arith.index_cast %scan3A_34 : i32 to index
      %get3A_140 = arith.constant 0 : index
      %get3A_141 = tpu.vector_load %arg5[%get3A_138, %get3A_139, %get3A_140] {strides = array<i32>} : memref<20x64x16xi32, #tpu.memory_space<vmem>>, vector<16xi32>,
      %gather3A_142 = tpu.vector_load_idx %arg6[%get3A_141] : memref<100000xf32, #tpu.memory_space<vmem>>[vector<16xi32>], vector<16xf32>,
      %add3A_143 = arith.addf %add3A_136, %gather3A_142 : vector<16xf32>
      %get3A_144 = arith.constant 16 : i32
      %get3A_145 = arith.index_cast %get3A_144 : i32 to index
      %get3A_146 = arith.index_cast %scan3A_34 : i32 to index
      %get3A_147 = arith.constant 0 : index
      %get3A_148 = tpu.vector_load %arg5[%get3A_145, %get3A_146, %get3A_147] {strides = array<i32>} : memref<20x64x16xi32, #tpu.memory_space<vmem>>, vector<16xi32>,
      %gather3A_149 = tpu.vector_load_idx %arg6[%get3A_148] : memref<100000xf32, #tpu.memory_space<vmem>>[vector<16xi32>], vector<16xf32>,
      %add3A_150 = arith.addf %add3A_143, %gather3A_149 : vector<16xf32>
      %get3A_151 = arith.constant 17 : i32
      %get3A_152 = arith.index_cast %get3A_151 : i32 to index
      %get3A_153 = arith.index_cast %scan3A_34 : i32 to index
      %get3A_154 = arith.constant 0 : index
      %get3A_155 = tpu.vector_load %arg5[%get3A_152, %get3A_153, %get3A_154] {strides = array<i32>} : memref<20x64x16xi32, #tpu.memory_space<vmem>>, vector<16xi32>,
      %gather3A_156 = tpu.vector_load_idx %arg6[%get3A_155] : memref<100000xf32, #tpu.memory_space<vmem>>[vector<16xi32>], vector<16xf32>,
      %add3A_157 = arith.addf %add3A_150, %gather3A_156 : vector<16xf32>
      %get3A_158 = arith.constant 18 : i32
      %get3A_159 = arith.index_cast %get3A_158 : i32 to index
      %get3A_160 = arith.index_cast %scan3A_34 : i32 to index
      %get3A_161 = arith.constant 0 : index
      %get3A_162 = tpu.vector_load %arg5[%get3A_159, %get3A_160, %get3A_161] {strides = array<i32>} : memref<20x64x16xi32, #tpu.memory_space<vmem>>, vector<16xi32>,
      %gather3A_163 = tpu.vector_load_idx %arg6[%get3A_162] : memref<100000xf32, #tpu.memory_space<vmem>>[vector<16xi32>], vector<16xf32>,
      %add3A_164 = arith.addf %add3A_157, %gather3A_163 : vector<16xf32>
      %get3A_165 = arith.constant 19 : i32
      %get3A_166 = arith.index_cast %get3A_165 : i32 to index
      %get3A_167 = arith.index_cast %scan3A_34 : i32 to index
      %get3A_168 = arith.constant 0 : index
      %get3A_169 = tpu.vector_load %arg5[%get3A_166, %get3A_167, %get3A_168] {strides = array<i32>} : memref<20x64x16xi32, #tpu.memory_space<vmem>>, vector<16xi32>,
      %gather3A_170 = tpu.vector_load_idx %arg6[%get3A_169] : memref<100000xf32, #tpu.memory_space<vmem>>[vector<16xi32>], vector<16xf32>,
      %add3A_171 = arith.addf %add3A_164, %gather3A_170 : vector<16xf32>
      %mul3A_172 = arith.constant 5.000000e-02 : f32
      %mul3A_173 = vector.broadcast %mul3A_172 : f32 to vector<16xf32>
      %mul3A_174 = arith.mulf %add3A_171, %mul3A_173 : vector<16xf32>
      %swap3A = arith.constant 1 : i32
      %swap3A_175 = arith.index_cast %swap3A : i32 to index
      %swap3A_176 = arith.index_cast %scan3A_34 : i32 to index
      %swap3A_177 = arith.constant 0 : index
      %swap3A_178 = tpu.vector_load %arg7[%swap3A_175, %swap3A_176, %swap3A_177] {strides = array<i32>} : memref<2x64x16xf32, #tpu.memory_space<vmem>>, vector<16xf32>,
      tpu.vector_store %arg7[%swap3A_175, %swap3A_176, %swap3A_177], %mul3A_174 {strides = array<i32>} : memref<2x64x16xf32, #tpu.memory_space<vmem>>, vector<16xf32>,
    }
    %scan3A_31 = arith.constant 64 : i32
    %mul3A_32 = arith.constant 2 : i32
    %mul3A_33 = arith.muli %add3A, %mul3A_32 : i32
    "tpu.region"() ({
      %run_scoped3A = tpu.sem_alloc : memref<!tpu.dma_semaphore, #tpu.memory_space<semaphore_mem>>
      %dma_start3A_34 = arith.constant 0 : i32
      %dma_start3A_35 = arith.constant 0 : i32
      %dma_start3A_36 = tpu.memref_slice %arg4[%mul3A_33, %dma_start3A_34, %dma_start3A_35] : memref<64x64x16xf32, #tpu.memory_space<hbm>> -> memref<2x64x16xf32, #tpu.memory_space<hbm>>
      %dma_start3A_37 = arith.constant 0 : i32
      %dma_start3A_38 = arith.constant 0 : i32
      %dma_start3A_39 = tpu.memref_slice %arg4[%mul3A_33, %dma_start3A_37, %dma_start3A_38] : memref<64x64x16xf32, #tpu.memory_space<hbm>> -> memref<2x64x16xf32, #tpu.memory_space<hbm>>
      tpu.enqueue_dma source(%arg7 : memref<2x64x16xf32, #tpu.memory_space<vmem>>) target(%dma_start3A_39 : memref<2x64x16xf32, #tpu.memory_space<hbm>>) target_semaphore(%run_scoped3A : memref<!tpu.dma_semaphore, #tpu.memory_space<semaphore_mem>>)
      %dma_wait3A_40 = arith.constant 0 : i32
      %dma_wait3A_41 = arith.constant 0 : i32
      %dma_wait3A_42 = tpu.memref_slice %arg4[%mul3A_33, %dma_wait3A_40, %dma_wait3A_41] : memref<64x64x16xf32, #tpu.memory_space<hbm>> -> memref<2x64x16xf32, #tpu.memory_space<hbm>>
      %dma_wait3A_43 = arith.constant 0 : i32
      %dma_wait3A_44 = arith.constant 0 : i32
      %dma_wait3A_45 = tpu.memref_slice %arg4[%mul3A_33, %dma_wait3A_43, %dma_wait3A_44] : memref<64x64x16xf32, #tpu.memory_space<hbm>> -> memref<2x64x16xf32, #tpu.memory_space<hbm>>
      tpu.wait_dma2 semaphore(%run_scoped3A : memref<!tpu.dma_semaphore, #tpu.memory_space<semaphore_mem>>) src(%arg7 : memref<2x64x16xf32, #tpu.memory_space<vmem>>) dst(%dma_wait3A_45 : memref<2x64x16xf32, #tpu.memory_space<hbm>>)
      tpu.yield
    }) : () -> ()
    return
  }
}

module attributes {stable_mosaic.version = 14 : i64} {
  func.func @_mm_body(%arg0: i32, %arg1: memref<64x2048xf32, #tpu.memory_space<vmem>>, %arg2: memref<65536xf32, #tpu.memory_space<vmem>>, %arg3: memref<2048xf32, #tpu.memory_space<vmem>>, %arg4: memref<2048x1024xf32, #tpu.memory_space<vmem>>) attributes {dimension_semantics = [#tpu.dimension_semantics<parallel>], iteration_bounds = array<i64: 49>, scalar_prefetch = 0 : i64, scratch_operands = 0 : i64, tpu.core_type = #tpu.core_type<tc>, window_params = [{transform_indices = @transform_0, window_bounds = array<i64: 64, 2048>}, {pipeline_mode = #tpu.pipeline_mode<synchronous>, transform_indices = @transform_1, window_bounds = array<i64: 65536>}, {transform_indices = @transform_2, window_bounds = array<i64: 2048>}, {transform_indices = @transform_3, window_bounds = array<i64: 2048, 1024>}]} {
    %get3A = arith.constant 0 : index
    %get3A_0 = arith.constant 0 : index
    %get3A_1 = vector.load %arg1[%get3A, %get3A_0] : memref<64x2048xf32, #tpu.memory_space<vmem>>, vector<64x2048xf32>
    %get3A_2 = arith.constant 0 : index
    %get3A_3 = vector.load %arg2[%get3A_2] : memref<65536xf32, #tpu.memory_space<vmem>>, vector<65536xf32>
    %reshape3A = vector.shape_cast %get3A_3 : vector<65536xf32> to vector<64x1024xf32>
    %dot_general3A = arith.constant dense<0.000000e+00> : vector<2048x1024xf32>
    %dot_general3A_4 = tpu.matmul %get3A_1, %reshape3A, %dot_general3A {dimension_numbers = #tpu.dot_dimension_numbers<[0], [0], [1], [1], [0, 1, 1, 1], [], []>, transpose_lhs_hint = false} : vector<64x2048xf32>, vector<64x1024xf32>, vector<2048x1024xf32> -> vector<2048x1024xf32>
    %get3A_5 = arith.constant 0 : index
    %get3A_6 = vector.load %arg3[%get3A_5] : memref<2048xf32, #tpu.memory_space<vmem>>, vector<2048xf32>
    %reshape3A_7 = vector.shape_cast %get3A_6 : vector<2048xf32> to vector<2048x1xf32>
    %add3A = vector.broadcast %reshape3A_7 : vector<2048x1xf32> to vector<2048x1024xf32>
    %add3A_8 = arith.addf %dot_general3A_4, %add3A : vector<2048x1024xf32>
    %swap3A = arith.constant 0 : index
    %swap3A_9 = arith.constant 0 : index
    %swap3A_10 = vector.load %arg4[%swap3A, %swap3A_9] : memref<2048x1024xf32, #tpu.memory_space<vmem>>, vector<2048x1024xf32>
    tpu.vector_store %arg4[%swap3A, %swap3A_9], %add3A_8 {strides = array<i32>} : memref<2048x1024xf32, #tpu.memory_space<vmem>>, vector<2048x1024xf32>,
    return
  }
  func.func @transform_0(%arg0: i32) -> (i32, i32) {
    %c0_i32 = arith.constant 0 : i32
    %c0_i32_0 = arith.constant 0 : i32
    return %c0_i32, %arg0 : i32, i32
  }
  func.func @transform_1(%arg0: i32) -> i32 {
    %c0_i32 = arith.constant 0 : i32
    %c0_i32_0 = arith.constant 0 : i32
    return %c0_i32 : i32
  }
  func.func @transform_2(%arg0: i32) -> i32 {
    %c0_i32 = arith.constant 0 : i32
    return %arg0 : i32
  }
  func.func @transform_3(%arg0: i32) -> (i32, i32) {
    %c0_i32 = arith.constant 0 : i32
    %c0_i32_0 = arith.constant 0 : i32
    return %arg0, %c0_i32 : i32, i32
  }
}

</mosaic_0001>

<sc_bundles>
// kernel: kernel.4.cloned.1.call-start
scs
__scs_entry_jumppad:
0x0: {  	(pc) =	sbr.rel $0x88, $3  }
0x1: {  	(tag) =	ssettag $0x0;
	lr =	simm.s32 $0x1  }
0x2: {  	[smem:$0x3F9D] =	sst lr;
	_ =	strace $0xD0000000  }
0x3: {  	_ = 	snop  }
0x4: {  	_ = 	snop  }
0x5: {  	_ = 	snop  }
0x6: {  	_ = 	snop  }
0x7: {  	_ = 	snop  }
__scs_overlays_trampoline_lowered:
0x8: {  	[smem:$0x3FAC] =	sst s0  }
0x9: {  	[smem:$0x3FAD] =	sst s1  }
0xa: {  	[smem:$0x3FAE] =	sst s2  }
0xb: {  	[smem:$0x3FAF] =	sst s3  }
0xc: {  	[smem:$0x3FB0] =	sst s4  }
0xd: {  	[smem:$0x3FB1] =	sst s5  }
0xe: {  	[smem:$0x3FB2] =	sst s6  }
0xf: {  	[smem:$0x3FB3] =	sst s7  }
0x10: {  	[smem:$0x3FB4] =	sst s8  }
0x11: {  	[smem:$0x3FB5] =	sst s9;
	s0 =	simm.s32 @!p0 $0x0  }
0x12: {  	s1 =	sld [smem:$0x3F9B];
	s0 =	simm.s32 @p0 $0x1  }
0x13: {  	[smem:$0x3FB6] =	sst s0;
	s0 =	simm.s32 @!p1 $0x0  }
0x14: {  	s2 =	sld [smem:$0x3F9A];
	s0 =	simm.s32 @p1 $0x1  }
0x15: {  	[smem:$0x3FB7] =	sst s0;
	s0 =	simm.s32 @!p2 $0x0  }
0x16: {  	s3 =	sld [smem:$0x3FDB];
	s0 =	simm.s32 @p2 $0x1  }
0x17: {  	s4 =	simm.s32 $0x1BF5;
	[smem:$0x3FB9] =	sst s0  }
0x18: {  	s0 =	sld [smem:$0x3F9C];
	_ =	swait.ge [sflag:s4], $0x0  }
0x19: {  	s7 =	sld [smem:$0x3F9D]  }
0x1a: {  	s8 =	sadd.s32 $0xFFFFE003, lr  }
0x1b: {  	s9 =	sadd.s32 $0xFFFFFEF7, lr;
	s5 =	simm.s32 $0xFFFFFFFF;
	p2 =	slt.u32 s8, $0xFFFFF086  }
0x1c: {  	p1 =	slt.u32 s9, $0xF7A;
	s5 =	simm.s32 @!p2 $0x0  }
0x1d: {  	s5 =	simm.s32 @p1 $0x1;
	p0 =	seq.s32 s7, s2  }
0x1e: {  	s7 =	smul.u32 @!p0 $0xF7A, s2;
	p2 =	seq.s32 @!p0 s5, $0x0  }
0x1f: {  	s9 =	smul.u32 $0xF7A, s1;
	s8 =	simm.s32 @!p0 $0x1BF5;
	p2 =	por !p2, p0  }
0x20: {  	[sflag:s8] =	ssyncset.s32 @!p0 $0xFFFFF086;
	s6 =	sadd.s32 @!p0 s3, s7;
	s7 =	simm.s32 @!p0 $0x108  }
0x21: {  	s3 =	sadd.s32 s3, s9;
	s6 =	sadd.s32 @!p0 $0x88, s6;
	s7 =	simm.s32 @p2 $0x1082  }
0x22: {  	[simem:s7], [sflag:s8] =	dma.local @!p0 [hbm:s6], $0xF7A  }
0x23: {  	s9 =	sor.u32 $0xD0000000, s2;
	s6 =	simm.s32 $0x108;
	_ =	swait.ge @!p0 [sflag:s8], $0x0  }
0x24: {  	s3 =	sadd.s32 $0x88, s3;
	s6 =	simm.s32 @!p1 $0x1082;
	[sflag:s4] =	ssyncset.s32 $0xFFFFF086  }
0x25: {  	[simem:s6], [sflag:s4] =	dma.local [hbm:s3], $0xF7A  }
0x26: {  	[smem:$0x3F9D] =	sst s1;
	(tag) =	ssettag s2;
	_ =	strace s9  }
0x27: {  	s1 =	sld [smem:$0x3FAD]  }
0x28: {  	s2 =	sld [smem:$0x3FAE]  }
0x29: {  	s4 =	sld [smem:$0x3FB0]  }
0x2a: {  	p0 =	seq.s32 s5, $0x0;
	s5 =	sld [smem:$0x3FB1]  }
0x2b: {  	s6 =	sld [smem:$0x3FB2]  }
0x2c: {  	s7 =	sld [smem:$0x3FB3]  }
0x2d: {  	s3 =	simm.s32 $0x108;
	s8 =	sld [smem:$0x3FB4]  }
0x2e: {  	s3 =	simm.s32 @!p0 $0x1082;
	s9 =	sld [smem:$0x3FB5]  }
0x2f: {  	lr =	sadd.s32 s0, s3;
	s0 =	sld [smem:$0x3FAC]  }
0x30: {  	s3 =	sld [smem:$0x3FAF]  }
0x31: {  	[smem:$0x3FB8] =	sst s10  }
0x32: {  	s10 =	sld [smem:$0x3FB6];
	_ =	sdelay $0x3  }
0x33: {  	p0 =	seq.s32 s10, $0x1;
	s10 =	sld [smem:$0x3FB8];
	_ =	sdelay $0x3  }
0x34: {  	[smem:$0x3FB8] =	sst s10  }
0x35: {  	s10 =	sld [smem:$0x3FB7];
	_ =	sdelay $0x3  }
0x36: {  	p1 =	seq.s32 s10, $0x1;
	s10 =	sld [smem:$0x3FB8];
	_ =	sdelay $0x3  }
0x37: {  	[smem:$0x3FB8] =	sst s10  }
0x38: {  	s10 =	sld [smem:$0x3FB9]  }
0x39: {  	_ = 	snop;
	(pc) =	sbr.ind lr, $3  }
0x3a: {  	_ = 	snop  }
0x3b: {  	_ = 	snop  }
0x3c: {  	p2 =	seq.s32 s10, $0x1;
	s10 =	sld [smem:$0x3FB8]  }
0x3d: {  	_ =	shalt  }
0x3e: {  	_ =	shalt  }
0x3f: {  	_ =	shalt  }
0x40: {  	_ =	shalt  }
0x41: {  	_ =	shalt  }
0x42: {  	_ =	shalt  }
0x43: {  	_ =	shalt  }
0x44: {  	_ =	shalt  }
0x45: {  	_ =	shalt  }
0x46: {  	_ =	shalt  }
0x47: {  	_ =	shalt  }
0x48: {  	_ =	shalt  }
0x49: {  	_ =	shalt  }
0x4a: {  	_ =	shalt  }
0x4b: {  	_ =	shalt  }
0x4c: {  	_ =	shalt  }
0x4d: {  	_ =	shalt  }
0x4e: {  	_ =	shalt  }
0x4f: {  	_ =	shalt  }
0x50: {  	_ =	shalt  }
0x51: {  	_ =	shalt  }
0x52: {  	_ =	shalt  }
0x53: {  	_ =	shalt  }
0x54: {  	_ =	shalt  }
0x55: {  	_ =	shalt  }
0x56: {  	_ =	shalt  }
0x57: {  	_ =	shalt  }
0x58: {  	_ =	shalt  }
0x59: {  	_ =	shalt  }
0x5a: {  	_ =	shalt  }
0x5b: {  	_ =	shalt  }
0x5c: {  	_ =	shalt  }
0x5d: {  	_ =	shalt  }
0x5e: {  	_ =	shalt  }
0x5f: {  	_ =	shalt  }
0x60: {  	_ =	shalt  }
0x61: {  	_ =	shalt  }
0x62: {  	_ =	shalt  }
0x63: {  	_ =	shalt  }
0x64: {  	_ =	shalt  }
0x65: {  	_ =	shalt  }
0x66: {  	_ =	shalt  }
0x67: {  	_ =	shalt  }
0x68: {  	_ =	shalt  }
0x69: {  	_ =	shalt  }
0x6a: {  	_ =	shalt  }
0x6b: {  	_ =	shalt  }
0x6c: {  	_ =	shalt  }
0x6d: {  	_ =	shalt  }
0x6e: {  	_ =	shalt  }
0x6f: {  	_ =	shalt  }
0x70: {  	_ =	shalt  }
0x71: {  	_ =	shalt  }
0x72: {  	_ =	shalt  }
0x73: {  	_ =	shalt  }
0x74: {  	_ =	shalt  }
0x75: {  	_ =	shalt  }
0x76: {  	_ =	shalt  }
0x77: {  	_ =	shalt  }
0x78: {  	_ =	shalt  }
0x79: {  	_ =	shalt  }
0x7a: {  	_ =	shalt  }
0x7b: {  	_ =	shalt  }
0x7c: {  	_ =	shalt  }
0x7d: {  	_ =	shalt  }
0x7e: {  	_ =	shalt  }
0x7f: {  	_ =	shalt  }
0x80: {  	_ =	shalt  }
0x81: {  	_ =	shalt  }
0x82: {  	_ =	shalt  }
0x83: {  	_ =	shalt  }
0x84: {  	_ =	shalt  }
0x85: {  	_ =	shalt  }
0x86: {  	_ =	shalt  }
0x87: {  	_ =	shalt  }
.Lfunc_end0:
.L_simem_size_0:
called_computation_lowered:
.L_overlay_start_0:
0x88: {  	s2 =	sld [smem:$0x3FD9]  }
0x89: {  	s3 =	sld [smem:$0x3FFE];
	_ =	sdelay $0x1  }
0x8a: {  	s1 =	srdreg.scid  }
0x8b: {  	s0 =	sand.u32 $0x1, s1  }
0x8c: {  	s17 =	sshll.u32 s0, $0xA;
	s2 =	sadd.s32 s3, s2  }
0x8d: {  	s2 =	sadd.s32 s2, s17  }
0x8e: {  	[smem:$0x3FC4] =	sst s2  }
0x8f: {  	_ = 	snop  }
0x90: {  	s2 =	sld [smem:$0x3FD0];
	(tm) =	ssettm $0x1  }
0x91: {  	s18 =	sld [smem:$0x3FFB];
	_ =	sdelay $0x3  }
0x92: {  	_ =	strace s18  }
0x93: {  	s3 =	sld [smem:$0x3FFC];
	_ =	sdelay $0x3  }
0x94: {  	_ =	strace s3  }
0x95: {  	s3 =	sld [smem:$0x3FFD];
	_ =	sdelay $0x3  }
0x96: {  	_ =	strace s3  }
0x97: {  	_ =	strace $0x8FFFFFFF  }
0x98: {  	s19 =	sld [smem:$0x3FDB];
	_ =	sdelay $0x1  }
0x99: {  	s4 =	simm.s32 $_scs_section_size  }
0x9a: {  	s5 =	simm.s32 $_size__tile_overlayer_lowered;
	s6 =	simm.s32 $_tile_overlayer_lowered  }
0x9b: {  	s22 =	simm.s32 $0x1BFF;
	s21 =	sshll.u32 s6, $0x1;
	s3 =	sadd.s32 s4, s19  }
0x9c: {  	s7 =	simm.s32 $0x0;
	s20 =	sshll.u32 s5, $0x1;
	s5 =	sadd.s32 s21, s3  }
0x9d: {  	[timem:s7], [sflag:s22] =	dma.local [hbm:s5], s20  }
0x9e: {  	_ =	swait.ge [sflag:s22], s20  }
0x9f: {  	s4 =	ssub.s32 $0x0, s20;
	[sflag:s22] =	ssyncset.done $0x0  }
0xa0: {  	[sflag:s22] =	ssyncadd.s32 s4;
	_ =	sdelay $0x1  }
0xa1: {  	s23 =	simm.s32 $0x1B8B  }
0xa2: {  	_ =	swait.ge [sflag:s23], $0x1  }
0xa3: {  	[sflag:s23] =	ssyncset.done $0x0  }
0xa4: {  	s25 =	simm.s32 $0x1B8E;
	s24 =	sld [smem:$0x3FFE];
	[sflag:s23] =	ssyncadd.s32 $0xFFFFFFFF  }
0xa5: {  	s26 =	simm.s32 $execute0_lowered;
	[smem:$0x3FD2] =	sst s25  }
0xa6: {  	s5 =	sshll.u32 s26, $0x1;
	_ =	strace $0x80000046;
	[dreg:$0x1] =	wrdreg $0xFFFFFFFF  }
0xa7: {  	s28 =	simm.s32 $_size_execute0_lowered;
	s3 =	sadd.s32 s3, s5;
	[dreg:$0x0] =	wrdreg $0x0  }
0xa8: {  	s5 =	sshll.u32 s28, $0x1;
	[dreg:$0x2] =	wrdreg s3  }
0xa9: {  	[dreg:$0x3] =	wrdreg s5  }
0xaa: {  	[dreg:$0x4] =	wrdreg $0xC0  }
0xab: {  	_ =	task [dreg:s7], $0x5FFFF  }
0xac: {  	[dreg:$0x1] =	wrdreg $0xFFFFFFFF  }
0xad: {  	[dreg:$0x0] =	wrdreg $0x60  }
0xae: {  	[dreg:$0x2] =	wrdreg s24  }
0xaf: {  	[dreg:$0x3] =	wrdreg s2  }
0xb0: {  	[dreg:$0x4] =	wrdreg $0x9  }
0xb1: {  	_ =	task.clear_ibuf [dreg:s7], $0x5FFFF;
	_ =	strace $0x90000046  }
0xb2: {  	s29 =	simm.s32 $0x9;
	_ =	strace $0x80000048  }
0xb3: {  	_ =	swait.ge [sflag:s29], $0x1  }
0xb4: {  	[sflag:s29] =	ssyncadd.s32 $0xFFFFFFFF  }
0xb5: {  	_ =	strace $0x90000048  }
0xb6: {  	_ =	sfence  }
0xb7: {  	s30 =	sld [smem:$0x0];
	_ =	sdelay $0x2  }
0xb8: {  	s31 =	sshll.u32 s1, $0xD;
	s1 =	sshrl.u32 s1, $0x2  }
0xb9: {  	s3 =	sand.u32 $0x4000, s31;
	s1 =	sadd.s32 s1, s30  }
0xba: {  	s0 =	sor.u32 s3, s0;
	s1 =	sshll.u32 s1, $0x11  }
0xbb: {  	s0 =	sor.u32 s1, s0  }
0xbc: {  	s0 =	sadd.s32 $0x8F2B, s0  }
0xbd: {  	[sflag:s0] =	ssyncadd.remote.s32 $0x1  }
0xbe: {  	_ =	sfence.sel $0xFFFF  }
0xbf: {  	[dreg:$0x0] =	wrdreg $0xFFFFFFFF;
	(pc) =	sbr.abs _section_cstart, $3  }
0xc0: {  	[dreg:$0x1] =	wrdreg $0xFFFFFFFF  }
0xc1: {  	_ =	task.clear_ibuf [dreg:s7], $0x2FFFF;
	_ =	strace $0x9FFFFFFF  }
0xc2: {  	(tm) =	ssettm $0x7FFFFFFF  }
0xc3: {  	_ =	shalt  }
tec
execute0_lowered:
.L_overlay_start_1:
0x0: {  	(tag) =	ssettag $0x1  }
0x1: {  	s4 =	rddreg [dreg:$0x0]  }
0x2: {  	s5 =	rddreg [dreg:$0x1];
	s2 =	srdreg.scid  }
0x3: {  	s0 =	rddreg [dreg:$0x2];
	s1 =	stileid.u32  }
0x4: {  	s11 =	simm.s32 $0x3;
	s12 =	simm.s32 $0x1D6A0;
	s6 =	sand.u32 $0x1, s2  }
0x5: {  	s2 =	simm.s32 $0x0;
	s3 =	sshll.u32 s1, $0x2;
	s7 =	sshll.u32 s6, $0x1  }
0x6: {  	s13 =	simm.s32 $0x0;
	[smem:$0x7FF] =	sst s2;
	s7 =	sor.u32 s7, s3  }
0x7: {  	s6 =	ssub.s32 $0x2, s6;
	_ =	strace $0x80000047;
	s8 =	smul.u32 $0x186A0, s7  }
0x8: {  	s31 =	sshrl.u32 s6, $0x1;
	s9 =	sshll.u32 s7, $0x7;
	s7 =	smul.u32 $0x30D4, s7  }
0x9: {  	s3 =	sadd.s32 $0x400, s4;
	s10 =	ssub.s32 s6, s31;
	s9 =	sadd.s32 s9, s4  }
0xa: {  	s8 =	sshrl.u32 s8, $0x3;
	s4 =	sadd.s32 s5, s7;
	s6 =	sadd.s32 $0xE00, s9  }
0xb: {  	s7 =	smax.u32 s10, $0x1;
	s9 =	simm.s32 $0x1;
	s5 =	sadd.s32 s5, s8  }
0xc: {  	s10 =	simm.s32 $0x2;
	s8 =	simm.s32 $0x5000;
	s5 =	sadd.s32 $0x30D4, s5  }
.LBB2_1:
0xd: {  	[tilespmem:s2], [sflag:$0x1] =	stream.linear.gather [hbm4b:s3+s2], $0x5000, $0x38;
	[tilespmem:$0x1DEA0] =	vst v63  }
0xe: {  	_ = 	snop  }
0xf: {  	[tilespmem:s8], [sflag:$0x2] =	stream.linear.gather [hbm4b:s4+s2], $0x186A0, $0x38;
	[tilespmem:$0x1DEA0] =	vst v63  }
0x10: {  	_ =	swait.ge [sflag:s9], $0x5000  }
0x11: {  	[sflag:s9] =	ssyncset.done $0x0  }
0x12: {  	[sflag:s9] =	ssyncadd.s32 $0xFFFFB000  }
0x13: {  	_ =	swait.ge [sflag:s10], $0x186A0  }
0x14: {  	[sflag:s10] =	ssyncset.done $0x0  }
0x15: {  	s14 =	simm.s32 $0x0;
	[sflag:s10] =	ssyncadd.s32 $0xFFFE7960  }
0x16: {  	v0 =	vld [tilespmem:s14+$0x400]  }
0x17: {  	v1 =	vld [tilespmem:s14+$0x0];
	_ =	sdelay $0x1  }
0x18: {  	v2 =	vld [tilespmem:s14+$0x800];
	_ =	sdelay $0x1  }
0x19: {  	v3 =	vld [tilespmem:s14+$0xC00]  }
0x1a: {  	v4 =	vld [tilespmem:s14+$0x1400]  }
0x1b: {  	v5 =	vld [tilespmem:s14+$0x1000]  }
0x1c: {  	v0 =	vld.idx.msk [tilespmem:v0+s8+$0x0], $0xffff  }
0x1d: {  	v1 =	vld.idx.msk [tilespmem:v1+s8+$0x0], $0xffff  }
0x1e: {  	v6 =	vld [tilespmem:s14+$0x1800]  }
0x1f: {  	v2 =	vld.idx.msk [tilespmem:v2+s8+$0x0], $0xffff  }
0x20: {  	v7 =	vld [tilespmem:s14+$0x1C00]  }
0x21: {  	v3 =	vld.idx.msk [tilespmem:v3+s8+$0x0], $0xffff  }
0x22: {  	v8 =	vld [tilespmem:s14+$0x2000];
	v0 =	vadd.f32 v0, v1  }
0x23: {  	v1 =	vld.idx.msk [tilespmem:v5+s8+$0x0], $0xffff  }
0x24: {  	v5 =	vld [tilespmem:s14+$0x2400];
	v0 =	vadd.f32 v2, v0  }
0x25: {  	v2 =	vld.idx.msk [tilespmem:v4+s8+$0x0], $0xffff  }
0x26: {  	v4 =	vld [tilespmem:s14+$0x2800];
	v0 =	vadd.f32 v3, v0  }
0x27: {  	v3 =	vld.idx.msk [tilespmem:v6+s8+$0x0], $0xffff  }
0x28: {  	v57 =	vld [tilespmem:s14+$0x2C00];
	v0 =	vadd.f32 v1, v0  }
0x29: {  	v1 =	vld.idx.msk [tilespmem:v7+s8+$0x0], $0xffff  }
0x2a: {  	v58 =	vld [tilespmem:s14+$0x3000];
	v0 =	vadd.f32 v2, v0  }
0x2b: {  	v2 =	vld.idx.msk [tilespmem:v8+s8+$0x0], $0xffff  }
0x2c: {  	v59 =	vld [tilespmem:s14+$0x3400];
	v0 =	vadd.f32 v3, v0  }
0x2d: {  	v3 =	vld.idx.msk [tilespmem:v5+s8+$0x0], $0xffff  }
0x2e: {  	v5 =	vld [tilespmem:s14+$0x3800];
	v0 =	vadd.f32 v1, v0  }
0x2f: {  	v1 =	vld.idx.msk [tilespmem:v4+s8+$0x0], $0xffff  }
0x30: {  	v4 =	vld [tilespmem:s14+$0x3C00];
	v0 =	vadd.f32 v2, v0  }
0x31: {  	v2 =	vld.idx.msk [tilespmem:v57+s8+$0x0], $0xffff  }
0x32: {  	v60 =	vld [tilespmem:s14+$0x4000];
	v0 =	vadd.f32 v3, v0  }
0x33: {  	v3 =	vld.idx.msk [tilespmem:v58+s8+$0x0], $0xffff  }
0x34: {  	v61 =	vld [tilespmem:s14+$0x4400];
	v0 =	vadd.f32 v1, v0  }
0x35: {  	v1 =	vld.idx.msk [tilespmem:v59+s8+$0x0], $0xffff  }
0x36: {  	v62 =	vld [tilespmem:s14+$0x4800];
	v0 =	vadd.f32 v2, v0  }
0x37: {  	v2 =	vld.idx.msk [tilespmem:v5+s8+$0x0], $0xffff  }
0x38: {  	v5 =	vld [tilespmem:s14+$0x4C00];
	v0 =	vadd.f32 v3, v0  }
0x39: {  	v3 =	vld.idx.msk [tilespmem:v4+s8+$0x0], $0xffff  }
0x3a: {  	v0 =	vadd.f32 v1, v0  }
0x3b: {  	v4 =	vld.idx.msk [tilespmem:v60+s8+$0x0], $0xffff  }
0x3c: {  	v0 =	vadd.f32 v2, v0  }
0x3d: {  	v63 =	vld.idx.msk [tilespmem:v61+s8+$0x0], $0xffff  }
0x3e: {  	v0 =	vadd.f32 v3, v0  }
0x3f: {  	v1 =	vld.idx.msk [tilespmem:v62+s8+$0x0], $0xffff  }
0x40: {  	v0 =	vadd.f32 v4, v0  }
0x41: {  	v2 =	vld.idx.msk [tilespmem:v5+s8+$0x0], $0xffff  }
0x42: {  	s16 =	simm.s32 $0x10;
	v3 =	vadd.f32 v63, v0  }
0x43: {  	s15 =	simm.s32 $0x80;
	v0 =	vld [tilespmem:s16+$0x400]  }
.LBB2_2:
0x44: {  	p0 =	sne.s32 s15, $0xFC0;
	v4 =	vld [tilespmem:s16+$0x0];
	v1 =	vadd.f32 v1, v3;
	_ =	sdelay $0x1  }
0x45: {  	v3 =	vld [tilespmem:s16+$0x800];
	v1 =	vadd.f32 v2, v1;
	_ =	sdelay $0x1  }
0x46: {  	v2 =	vld [tilespmem:s16+$0xC00];
	v1 =	vmul.f32 $5.000000070e-02, v1  }
0x47: {  	v5 =	vld [tilespmem:s16+$0x1400]  }
0x48: {  	v6 =	vld [tilespmem:s16+$0x1000];
	[tilespmem:s14+$0x1D6A0] =	vst v1;
	s14 =	smov.u32 s16  }
0x49: {  	v0 =	vld.idx.msk [tilespmem:v0+s8+$0x0], $0xffff  }
0x4a: {  	v1 =	vld.idx.msk [tilespmem:v4+s8+$0x0], $0xffff  }
0x4b: {  	v4 =	vld [tilespmem:s14+$0x1800]  }
0x4c: {  	v3 =	vld.idx.msk [tilespmem:v3+s8+$0x0], $0xffff  }
0x4d: {  	v7 =	vld [tilespmem:s14+$0x1C00]  }
0x4e: {  	v2 =	vld.idx.msk [tilespmem:v2+s8+$0x0], $0xffff  }
0x4f: {  	v8 =	vld [tilespmem:s14+$0x2000]  }
0x50: {  	v0 =	vadd.f32 v0, v1;
	v1 =	vld.idx.msk [tilespmem:v6+s8+$0x0], $0xffff  }
0x51: {  	v6 =	vld [tilespmem:s14+$0x2400]  }
0x52: {  	v0 =	vadd.f32 v3, v0;
	v3 =	vld.idx.msk [tilespmem:v5+s8+$0x0], $0xffff  }
0x53: {  	v5 =	vld [tilespmem:s14+$0x2800]  }
0x54: {  	v0 =	vadd.f32 v2, v0;
	v2 =	vld.idx.msk [tilespmem:v4+s8+$0x0], $0xffff  }
0x55: {  	v4 =	vld [tilespmem:s14+$0x2C00]  }
0x56: {  	v0 =	vadd.f32 v1, v0;
	v1 =	vld.idx.msk [tilespmem:v7+s8+$0x0], $0xffff  }
0x57: {  	v7 =	vld [tilespmem:s14+$0x3000]  }
0x58: {  	v0 =	vadd.f32 v3, v0;
	v3 =	vld.idx.msk [tilespmem:v8+s8+$0x0], $0xffff  }
0x59: {  	v8 =	vld [tilespmem:s14+$0x3400]  }
0x5a: {  	v0 =	vadd.f32 v2, v0;
	v2 =	vld.idx.msk [tilespmem:v6+s8+$0x0], $0xffff  }
0x5b: {  	v6 =	vld [tilespmem:s14+$0x3800]  }
0x5c: {  	v0 =	vadd.f32 v1, v0;
	v1 =	vld.idx.msk [tilespmem:v5+s8+$0x0], $0xffff  }
0x5d: {  	v5 =	vld [tilespmem:s14+$0x3C00]  }
0x5e: {  	v0 =	vadd.f32 v3, v0;
	v3 =	vld.idx.msk [tilespmem:v4+s8+$0x0], $0xffff  }
0x5f: {  	v4 =	vld [tilespmem:s14+$0x4000]  }
0x60: {  	v0 =	vadd.f32 v2, v0;
	v2 =	vld.idx.msk [tilespmem:v7+s8+$0x0], $0xffff  }
0x61: {  	v7 =	vld [tilespmem:s14+$0x4400]  }
0x62: {  	v0 =	vadd.f32 v1, v0;
	v1 =	vld.idx.msk [tilespmem:v8+s8+$0x0], $0xffff  }
0x63: {  	v8 =	vld [tilespmem:s14+$0x4800]  }
0x64: {  	v0 =	vadd.f32 v3, v0;
	v3 =	vld.idx.msk [tilespmem:v6+s8+$0x0], $0xffff  }
0x65: {  	v6 =	vld [tilespmem:s14+$0x4C00]  }
0x66: {  	v0 =	vadd.f32 v2, v0;
	v2 =	vld.idx.msk [tilespmem:v5+s8+$0x0], $0xffff;
	_ =	sdelay $0x1  }
0x67: {  	v0 =	vadd.f32 v1, v0;
	v4 =	vld.idx.msk [tilespmem:v4+s8+$0x0], $0xffff;
	_ =	sdelay $0x1  }
0x68: {  	v0 =	vadd.f32 v3, v0;
	v3 =	vld.idx.msk [tilespmem:v7+s8+$0x0], $0xffff;
	_ =	sdelay $0x1  }
0x69: {  	v0 =	vadd.f32 v2, v0;
	v1 =	vld.idx.msk [tilespmem:v8+s8+$0x0], $0xffff  }
.Ltmp0:
0x6a: {  	(pc) =	sbr.rel @p0 .LBB2_2-.Ltmp0, $3  }
0x6b: {  	v0 =	vadd.f32 v4, v0;
	v2 =	vld.idx.msk [tilespmem:v6+s8+$0x0], $0xffff;
	_ =	sdelay $0x1  }
0x6c: {  	s16 =	sshra.s32 s15, $0x2;
	v3 =	vadd.f32 v3, v0  }
0x6d: {  	s15 =	sadd.s32 $0x40, s15;
	v0 =	vld [tilespmem:s16+$0x400]  }
0x6e: {  	_ = 	snop  }
0x6f: {  	v4 =	vld [tilespmem:s16+$0x0];
	v1 =	vadd.f32 v1, v3;
	_ =	sdelay $0x1  }
0x70: {  	v3 =	vld [tilespmem:s16+$0x800];
	v1 =	vadd.f32 v2, v1;
	_ =	sdelay $0x1  }
0x71: {  	v2 =	vld [tilespmem:s16+$0xC00];
	v1 =	vmul.f32 $5.000000070e-02, v1  }
0x72: {  	v5 =	vld [tilespmem:s16+$0x1400]  }
0x73: {  	v6 =	vld [tilespmem:s16+$0x1000];
	[tilespmem:s14+$0x1D6A0] =	vst v1  }
0x74: {  	v0 =	vld.idx.msk [tilespmem:v0+s8+$0x0], $0xffff  }
0x75: {  	v1 =	vld.idx.msk [tilespmem:v4+s8+$0x0], $0xffff  }
0x76: {  	v4 =	vld [tilespmem:s16+$0x1800]  }
0x77: {  	v3 =	vld.idx.msk [tilespmem:v3+s8+$0x0], $0xffff  }
0x78: {  	v7 =	vld [tilespmem:s16+$0x1C00]  }
0x79: {  	v2 =	vld.idx.msk [tilespmem:v2+s8+$0x0], $0xffff  }
0x7a: {  	v8 =	vld [tilespmem:s16+$0x2000];
	v0 =	vadd.f32 v0, v1  }
0x7b: {  	v1 =	vld.idx.msk [tilespmem:v6+s8+$0x0], $0xffff  }
0x7c: {  	v47 =	vld [tilespmem:s16+$0x2400];
	v0 =	vadd.f32 v3, v0  }
0x7d: {  	v3 =	vld.idx.msk [tilespmem:v5+s8+$0x0], $0xffff  }
0x7e: {  	v5 =	vld [tilespmem:s16+$0x2800];
	v0 =	vadd.f32 v2, v0  }
0x7f: {  	v2 =	vld.idx.msk [tilespmem:v4+s8+$0x0], $0xffff  }
0x80: {  	v4 =	vld [tilespmem:s16+$0x2C00];
	v0 =	vadd.f32 v1, v0  }
0x81: {  	v1 =	vld.idx.msk [tilespmem:v7+s8+$0x0], $0xffff  }
0x82: {  	v48 =	vld [tilespmem:s16+$0x3000];
	v0 =	vadd.f32 v3, v0  }
0x83: {  	v3 =	vld.idx.msk [tilespmem:v8+s8+$0x0], $0xffff  }
0x84: {  	v49 =	vld [tilespmem:s16+$0x3400];
	v0 =	vadd.f32 v2, v0  }
0x85: {  	v2 =	vld.idx.msk [tilespmem:v47+s8+$0x0], $0xffff  }
0x86: {  	v50 =	vld [tilespmem:s16+$0x3800];
	v0 =	vadd.f32 v1, v0  }
0x87: {  	v1 =	vld.idx.msk [tilespmem:v5+s8+$0x0], $0xffff  }
0x88: {  	v5 =	vld [tilespmem:s16+$0x3C00];
	v0 =	vadd.f32 v3, v0  }
0x89: {  	v3 =	vld.idx.msk [tilespmem:v4+s8+$0x0], $0xffff  }
0x8a: {  	v4 =	vld [tilespmem:s16+$0x4000];
	v0 =	vadd.f32 v2, v0  }
0x8b: {  	v2 =	vld.idx.msk [tilespmem:v48+s8+$0x0], $0xffff  }
0x8c: {  	v51 =	vld [tilespmem:s16+$0x4400];
	v0 =	vadd.f32 v1, v0  }
0x8d: {  	v1 =	vld.idx.msk [tilespmem:v49+s8+$0x0], $0xffff  }
0x8e: {  	v52 =	vld [tilespmem:s16+$0x4800];
	v0 =	vadd.f32 v3, v0  }
0x8f: {  	v3 =	vld.idx.msk [tilespmem:v50+s8+$0x0], $0xffff  }
0x90: {  	v53 =	vld [tilespmem:s16+$0x4C00];
	v0 =	vadd.f32 v2, v0  }
0x91: {  	v2 =	vld.idx.msk [tilespmem:v5+s8+$0x0], $0xffff  }
0x92: {  	v0 =	vadd.f32 v1, v0  }
0x93: {  	v1 =	vld.idx.msk [tilespmem:v4+s8+$0x0], $0xffff  }
0x94: {  	v0 =	vadd.f32 v3, v0  }
0x95: {  	v3 =	vld.idx.msk [tilespmem:v51+s8+$0x0], $0xffff  }
0x96: {  	v0 =	vadd.f32 v2, v0  }
0x97: {  	v2 =	vld.idx.msk [tilespmem:v52+s8+$0x0], $0xffff  }
0x98: {  	v0 =	vadd.f32 v1, v0  }
0x99: {  	v1 =	vld.idx.msk [tilespmem:v53+s8+$0x0], $0xffff  }
0x9a: {  	v0 =	vadd.f32 v3, v0;
	_ =	sdelay $0x1  }
0x9b: {  	v0 =	vadd.f32 v2, v0;
	_ =	sdelay $0x1  }
0x9c: {  	v0 =	vadd.f32 v1, v0;
	_ =	sdelay $0x1  }
0x9d: {  	v0 =	vmul.f32 $5.000000070e-02, v0;
	_ =	sdelay $0x1  }
0x9e: {  	s31 =	simm.s32 $0x0;
	[tilespmem:s16+$0x1D6A0] =	vst v0  }
0x9f: {  	[tilespmem:s8], [sflag:$0x3] =	stream.linear.gather [hbm4b:s5+s31], $0x186A0, $0x38;
	[tilespmem:$0x1DEA0] =	vst v63  }
0xa0: {  	_ =	swait.ge [sflag:s11], $0x186A0  }
0xa1: {  	[sflag:s11] =	ssyncset.done $0x0  }
0xa2: {  	s14 =	simm.s32 $0x0;
	[sflag:s11] =	ssyncadd.s32 $0xFFFE7960  }
0xa3: {  	v0 =	vld [tilespmem:s14+$0x400]  }
0xa4: {  	v1 =	vld [tilespmem:s14+$0x0];
	_ =	sdelay $0x1  }
0xa5: {  	v2 =	vld [tilespmem:s14+$0x800];
	_ =	sdelay $0x1  }
0xa6: {  	v3 =	vld [tilespmem:s14+$0xC00]  }
0xa7: {  	v4 =	vld [tilespmem:s14+$0x1400]  }
0xa8: {  	v5 =	vld [tilespmem:s14+$0x1000]  }
0xa9: {  	v0 =	vld.idx.msk [tilespmem:v0+s8+$0x0], $0xffff  }
0xaa: {  	v1 =	vld.idx.msk [tilespmem:v1+s8+$0x0], $0xffff  }
0xab: {  	v54 =	vld [tilespmem:s14+$0x1800]  }
0xac: {  	v2 =	vld.idx.msk [tilespmem:v2+s8+$0x0], $0xffff  }
0xad: {  	v55 =	vld [tilespmem:s14+$0x1C00]  }
0xae: {  	v3 =	vld.idx.msk [tilespmem:v3+s8+$0x0], $0xffff  }
0xaf: {  	v56 =	vld [tilespmem:s14+$0x2000];
	v0 =	vadd.f32 v0, v1  }
0xb0: {  	v1 =	vld.idx.msk [tilespmem:v5+s8+$0x0], $0xffff  }
0xb1: {  	v5 =	vld [tilespmem:s14+$0x2400];
	v0 =	vadd.f32 v2, v0  }
0xb2: {  	v2 =	vld.idx.msk [tilespmem:v4+s8+$0x0], $0xffff  }
0xb3: {  	v4 =	vld [tilespmem:s14+$0x2800];
	v0 =	vadd.f32 v3, v0  }
0xb4: {  	v3 =	vld.idx.msk [tilespmem:v54+s8+$0x0], $0xffff  }
0xb5: {  	v57 =	vld [tilespmem:s14+$0x2C00];
	v0 =	vadd.f32 v1, v0  }
0xb6: {  	v1 =	vld.idx.msk [tilespmem:v55+s8+$0x0], $0xffff  }
0xb7: {  	v58 =	vld [tilespmem:s14+$0x3000];
	v0 =	vadd.f32 v2, v0  }
0xb8: {  	v2 =	vld.idx.msk [tilespmem:v56+s8+$0x0], $0xffff  }
0xb9: {  	v59 =	vld [tilespmem:s14+$0x3400];
	v0 =	vadd.f32 v3, v0  }
0xba: {  	v3 =	vld.idx.msk [tilespmem:v5+s8+$0x0], $0xffff  }
0xbb: {  	v5 =	vld [tilespmem:s14+$0x3800];
	v0 =	vadd.f32 v1, v0  }
0xbc: {  	v1 =	vld.idx.msk [tilespmem:v4+s8+$0x0], $0xffff  }
0xbd: {  	v4 =	vld [tilespmem:s14+$0x3C00];
	v0 =	vadd.f32 v2, v0  }
0xbe: {  	v2 =	vld.idx.msk [tilespmem:v57+s8+$0x0], $0xffff  }
0xbf: {  	v60 =	vld [tilespmem:s14+$0x4000];
	v0 =	vadd.f32 v3, v0  }
0xc0: {  	v3 =	vld.idx.msk [tilespmem:v58+s8+$0x0], $0xffff  }
0xc1: {  	v61 =	vld [tilespmem:s14+$0x4400];
	v0 =	vadd.f32 v1, v0  }
0xc2: {  	v1 =	vld.idx.msk [tilespmem:v59+s8+$0x0], $0xffff  }
0xc3: {  	v62 =	vld [tilespmem:s14+$0x4800];
	v0 =	vadd.f32 v2, v0  }
0xc4: {  	v2 =	vld.idx.msk [tilespmem:v5+s8+$0x0], $0xffff  }
0xc5: {  	v5 =	vld [tilespmem:s14+$0x4C00];
	v0 =	vadd.f32 v3, v0  }
0xc6: {  	v3 =	vld.idx.msk [tilespmem:v4+s8+$0x0], $0xffff  }
0xc7: {  	v0 =	vadd.f32 v1, v0  }
0xc8: {  	v4 =	vld.idx.msk [tilespmem:v60+s8+$0x0], $0xffff  }
0xc9: {  	v0 =	vadd.f32 v2, v0  }
0xca: {  	v63 =	vld.idx.msk [tilespmem:v61+s8+$0x0], $0xffff  }
0xcb: {  	v0 =	vadd.f32 v3, v0  }
0xcc: {  	v1 =	vld.idx.msk [tilespmem:v62+s8+$0x0], $0xffff  }
0xcd: {  	v0 =	vadd.f32 v4, v0  }
0xce: {  	v2 =	vld.idx.msk [tilespmem:v5+s8+$0x0], $0xffff  }
0xcf: {  	s16 =	simm.s32 $0x10;
	v3 =	vadd.f32 v63, v0  }
0xd0: {  	s15 =	simm.s32 $0x80;
	v0 =	vld [tilespmem:s16+$0x400]  }
.LBB2_4:
0xd1: {  	p0 =	sne.s32 s15, $0xFC0;
	v4 =	vld [tilespmem:s16+$0x0];
	v1 =	vadd.f32 v1, v3;
	_ =	sdelay $0x1  }
0xd2: {  	v3 =	vld [tilespmem:s16+$0x800];
	v1 =	vadd.f32 v2, v1;
	_ =	sdelay $0x1  }
0xd3: {  	v2 =	vld [tilespmem:s16+$0xC00];
	v1 =	vmul.f32 $5.000000070e-02, v1  }
0xd4: {  	v5 =	vld [tilespmem:s16+$0x1400]  }
0xd5: {  	v6 =	vld [tilespmem:s16+$0x1000];
	[tilespmem:s14+$0x1DAA0] =	vst v1;
	s14 =	smov.u32 s16  }
0xd6: {  	v0 =	vld.idx.msk [tilespmem:v0+s8+$0x0], $0xffff  }
0xd7: {  	v1 =	vld.idx.msk [tilespmem:v4+s8+$0x0], $0xffff  }
0xd8: {  	v4 =	vld [tilespmem:s14+$0x1800]  }
0xd9: {  	v3 =	vld.idx.msk [tilespmem:v3+s8+$0x0], $0xffff  }
0xda: {  	v7 =	vld [tilespmem:s14+$0x1C00]  }
0xdb: {  	v2 =	vld.idx.msk [tilespmem:v2+s8+$0x0], $0xffff  }
0xdc: {  	v8 =	vld [tilespmem:s14+$0x2000]  }
0xdd: {  	v0 =	vadd.f32 v0, v1;
	v1 =	vld.idx.msk [tilespmem:v6+s8+$0x0], $0xffff  }
0xde: {  	v6 =	vld [tilespmem:s14+$0x2400]  }
0xdf: {  	v0 =	vadd.f32 v3, v0;
	v3 =	vld.idx.msk [tilespmem:v5+s8+$0x0], $0xffff  }
0xe0: {  	v5 =	vld [tilespmem:s14+$0x2800]  }
0xe1: {  	v0 =	vadd.f32 v2, v0;
	v2 =	vld.idx.msk [tilespmem:v4+s8+$0x0], $0xffff  }
0xe2: {  	v4 =	vld [tilespmem:s14+$0x2C00]  }
0xe3: {  	v0 =	vadd.f32 v1, v0;
	v1 =	vld.idx.msk [tilespmem:v7+s8+$0x0], $0xffff  }
0xe4: {  	v7 =	vld [tilespmem:s14+$0x3000]  }
0xe5: {  	v0 =	vadd.f32 v3, v0;
	v3 =	vld.idx.msk [tilespmem:v8+s8+$0x0], $0xffff  }
0xe6: {  	v8 =	vld [tilespmem:s14+$0x3400]  }
0xe7: {  	v0 =	vadd.f32 v2, v0;
	v2 =	vld.idx.msk [tilespmem:v6+s8+$0x0], $0xffff  }
0xe8: {  	v6 =	vld [tilespmem:s14+$0x3800]  }
0xe9: {  	v0 =	vadd.f32 v1, v0;
	v1 =	vld.idx.msk [tilespmem:v5+s8+$0x0], $0xffff  }
0xea: {  	v5 =	vld [tilespmem:s14+$0x3C00]  }
0xeb: {  	v0 =	vadd.f32 v3, v0;
	v3 =	vld.idx.msk [tilespmem:v4+s8+$0x0], $0xffff  }
0xec: {  	v4 =	vld [tilespmem:s14+$0x4000]  }
0xed: {  	v0 =	vadd.f32 v2, v0;
	v2 =	vld.idx.msk [tilespmem:v7+s8+$0x0], $0xffff  }
0xee: {  	v7 =	vld [tilespmem:s14+$0x4400]  }
0xef: {  	v0 =	vadd.f32 v1, v0;
	v1 =	vld.idx.msk [tilespmem:v8+s8+$0x0], $0xffff  }
0xf0: {  	v8 =	vld [tilespmem:s14+$0x4800]  }
0xf1: {  	v0 =	vadd.f32 v3, v0;
	v3 =	vld.idx.msk [tilespmem:v6+s8+$0x0], $0xffff  }
0xf2: {  	v6 =	vld [tilespmem:s14+$0x4C00]  }
0xf3: {  	v0 =	vadd.f32 v2, v0;
	v2 =	vld.idx.msk [tilespmem:v5+s8+$0x0], $0xffff;
	_ =	sdelay $0x1  }
0xf4: {  	v0 =	vadd.f32 v1, v0;
	v4 =	vld.idx.msk [tilespmem:v4+s8+$0x0], $0xffff;
	_ =	sdelay $0x1  }
0xf5: {  	v0 =	vadd.f32 v3, v0;
	v3 =	vld.idx.msk [tilespmem:v7+s8+$0x0], $0xffff;
	_ =	sdelay $0x1  }
0xf6: {  	v0 =	vadd.f32 v2, v0;
	v1 =	vld.idx.msk [tilespmem:v8+s8+$0x0], $0xffff  }
.Ltmp1:
0xf7: {  	(pc) =	sbr.rel @p0 .LBB2_4-.Ltmp1, $3  }
0xf8: {  	v0 =	vadd.f32 v4, v0;
	v2 =	vld.idx.msk [tilespmem:v6+s8+$0x0], $0xffff;
	_ =	sdelay $0x1  }
0xf9: {  	s16 =	sshra.s32 s15, $0x2;
	v3 =	vadd.f32 v3, v0  }
0xfa: {  	s15 =	sadd.s32 $0x40, s15;
	v0 =	vld [tilespmem:s16+$0x400]  }
0xfb: {  	_ = 	snop  }
0xfc: {  	v4 =	vld [tilespmem:s16+$0x0];
	v1 =	vadd.f32 v1, v3;
	_ =	sdelay $0x1  }
0xfd: {  	v34 =	vld [tilespmem:s16+$0x800];
	v1 =	vadd.f32 v2, v1;
	_ =	sdelay $0x1  }
0xfe: {  	v35 =	vld [tilespmem:s16+$0xC00];
	v1 =	vmul.f32 $5.000000070e-02, v1  }
0xff: {  	v5 =	vld [tilespmem:s16+$0x1400]  }
0x100: {  	v6 =	vld [tilespmem:s16+$0x1000];
	[tilespmem:s14+$0x1DAA0] =	vst v1  }
0x101: {  	v0 =	vld.idx.msk [tilespmem:v0+s8+$0x0], $0xffff  }
0x102: {  	v1 =	vld.idx.msk [tilespmem:v4+s8+$0x0], $0xffff  }
0x103: {  	v36 =	vld [tilespmem:s16+$0x1800]  }
0x104: {  	v3 =	vld.idx.msk [tilespmem:v34+s8+$0x0], $0xffff  }
0x105: {  	v7 =	vld [tilespmem:s16+$0x1C00]  }
0x106: {  	v2 =	vld.idx.msk [tilespmem:v35+s8+$0x0], $0xffff  }
0x107: {  	v8 =	vld [tilespmem:s16+$0x2000];
	v0 =	vadd.f32 v0, v1  }
0x108: {  	v37 =	vld.idx.msk [tilespmem:v6+s8+$0x0], $0xffff  }
0x109: {  	v38 =	vld [tilespmem:s16+$0x2400];
	v0 =	vadd.f32 v3, v0  }
0x10a: {  	v39 =	vld.idx.msk [tilespmem:v5+s8+$0x0], $0xffff  }
0x10b: {  	v40 =	vld [tilespmem:s16+$0x2800];
	v0 =	vadd.f32 v2, v0  }
0x10c: {  	v41 =	vld.idx.msk [tilespmem:v36+s8+$0x0], $0xffff  }
0x10d: {  	v42 =	vld [tilespmem:s16+$0x2C00];
	v0 =	vadd.f32 v37, v0  }
0x10e: {  	v43 =	vld.idx.msk [tilespmem:v7+s8+$0x0], $0xffff  }
0x10f: {  	v44 =	vld [tilespmem:s16+$0x3000];
	v0 =	vadd.f32 v39, v0  }
0x110: {  	v45 =	vld.idx.msk [tilespmem:v8+s8+$0x0], $0xffff  }
0x111: {  	v46 =	vld [tilespmem:s16+$0x3400];
	v0 =	vadd.f32 v41, v0  }
0x112: {  	v47 =	vld.idx.msk [tilespmem:v38+s8+$0x0], $0xffff  }
0x113: {  	v48 =	vld [tilespmem:s16+$0x3800];
	v0 =	vadd.f32 v43, v0  }
0x114: {  	v49 =	vld.idx.msk [tilespmem:v40+s8+$0x0], $0xffff  }
0x115: {  	v50 =	vld [tilespmem:s16+$0x3C00];
	v0 =	vadd.f32 v45, v0  }
0x116: {  	v51 =	vld.idx.msk [tilespmem:v42+s8+$0x0], $0xffff  }
0x117: {  	v52 =	vld [tilespmem:s16+$0x4000];
	v0 =	vadd.f32 v47, v0  }
0x118: {  	v53 =	vld.idx.msk [tilespmem:v44+s8+$0x0], $0xffff  }
0x119: {  	v54 =	vld [tilespmem:s16+$0x4400];
	v0 =	vadd.f32 v49, v0  }
0x11a: {  	v55 =	vld.idx.msk [tilespmem:v46+s8+$0x0], $0xffff  }
0x11b: {  	v56 =	vld [tilespmem:s16+$0x4800];
	v0 =	vadd.f32 v51, v0  }
0x11c: {  	v57 =	vld.idx.msk [tilespmem:v48+s8+$0x0], $0xffff  }
0x11d: {  	v58 =	vld [tilespmem:s16+$0x4C00];
	v0 =	vadd.f32 v53, v0  }
0x11e: {  	v59 =	vld.idx.msk [tilespmem:v50+s8+$0x0], $0xffff  }
0x11f: {  	v0 =	vadd.f32 v55, v0  }
0x120: {  	v60 =	vld.idx.msk [tilespmem:v52+s8+$0x0], $0xffff  }
0x121: {  	v0 =	vadd.f32 v57, v0  }
0x122: {  	v61 =	vld.idx.msk [tilespmem:v54+s8+$0x0], $0xffff  }
0x123: {  	v0 =	vadd.f32 v59, v0  }
0x124: {  	v62 =	vld.idx.msk [tilespmem:v56+s8+$0x0], $0xffff  }
0x125: {  	v0 =	vadd.f32 v60, v0  }
0x126: {  	v63 =	vld.idx.msk [tilespmem:v58+s8+$0x0], $0xffff  }
0x127: {  	v0 =	vadd.f32 v61, v0;
	_ =	sdelay $0x1  }
0x128: {  	v0 =	vadd.f32 v62, v0;
	_ =	sdelay $0x1  }
0x129: {  	v0 =	vadd.f32 v63, v0;
	_ =	sdelay $0x1  }
0x12a: {  	s13 =	sadd.s32 $0x1, s13;
	v0 =	vmul.f32 $5.000000070e-02, v0  }
0x12b: {  	p0 =	sne.s32 s13, s7  }
.Ltmp2:
0x12c: {  	[tilespmem:s16+$0x1DAA0] =	vst v0;
	(pc) =	sbr.rel @p0 .LBB2_1-.Ltmp2, $4  }
0x12d: {  	[hbm4b:s6+s2] =	stream.linear.scatter [tilespmem:s12], [sflag:$0x3], $0x800, $0x38;
	[tilespmem:$0x1DEA0] =	vst v63  }
0x12e: {  	_ =	swait.ge [sflag:s11], $0x800  }
0x12f: {  	[sflag:s11] =	ssyncset.done $0x0  }
0x130: {  	[sflag:s11] =	ssyncadd.s32 $0xFFFFF800  }
0x131: {  	_ =	sfence.sel $0x180000  }
0x132: {  	[bflag:$0x0] =	sbarrier.arrive $0xFFFF  }
0x133: {  	p0 =	sne.s32 s1, $0x0;
	_ =	strace $0x90000047  }
0x134: {  	s0 =	sadd.s32 @!p0 $0x100000, s0;
	[bflag:$0x2] =	sbarrier.arrive $0xFFFF  }
0x135: {  	[sflag:s0] =	ssyncadd.tile.s32 @!p0 $0x1;
	_ =	shalt  }
.Lfunc_end2:
_tile_overlayer_lowered:
.L_overlay_start_2:
0x136: {  	(tag) =	ssettag $0x2  }
0x137: {  	s0 =	rddreg [dreg:$0x0];
	s2 =	stileid.u32  }
0x138: {  	s1 =	rddreg [dreg:$0x1];
	p0 =	sne.s32 s2, $0x0  }
0x139: {  	s3 =	rddreg [dreg:$0x2];
	[bflag:$0x3] =	sbarrier.arrive $0xFFFF;
	s2 =	simm.s32 @!p0 $0x1C03  }
0x13a: {  	[timem:s3], [sflag:s2] =	dma.local @!p0 [hbm:s0], s1  }
0x13b: {  	s0 =	simm.s32 @!p0 $0x3  }
0x13c: {  	_ =	swait.ge @!p0 [sflag:s0], s1  }
0x13d: {  	s1 =	ssub.s32 @!p0 $0x0, s1;
	[sflag:s0] =	ssyncset.done @!p0 $0x0  }
0x13e: {  	[sflag:s0] =	ssyncadd.s32 @!p0 s1  }
0x13f: {  	[bflag:$0x3] =	sbarrier.arrive $0xFFFF  }
0x140: {  	_ =	shalt  }

</sc_bundles>
